<compile_context>
chip_gen: v7x
topology: tpu7x:2x2x1
jax: 0.10.2.dev20260603
libtpu: 0.0.44.dev20260713+nightly
codegen_flags: <defaults>
</compile_context>

<pallas_src>
import functools

import jax
import jax.numpy as jnp
from jax import lax
from jax.experimental import pallas as pl
from jax.experimental.pallas import tpu as pltpu
from jax.experimental.pallas import tpu_sc as plsc

N_USERS = 1000000
N_ITEMS = 1000000
D = 16
B = 16384
L = 50

NC = 2
NS = 16
NW = NC * NS
TOT = B * L
RPW = TOT // NW
CH = 1024
NCH = RPW // CH
GB = 128
NGB = CH // GB
NBLK = CH // 16

_mesh = plsc.VectorSubcoreMesh(
    core_axis_name="c", subcore_axis_name="s", num_cores=NC, num_subcores=NS
)


@functools.partial(
    pl.kernel,
    out_type=jax.ShapeDtypeStruct((TOT,), jnp.float32),
    mesh=_mesh,
    compiler_params=pltpu.CompilerParams(
        needs_layout_passes=False, use_tc_tiling_on_sc=False),
    scratch_types=[
        pltpu.VMEM((CH,), jnp.int32),
        pltpu.VMEM((CH,), jnp.int32),
        pltpu.VMEM((CH, D), jnp.float32),
        pltpu.VMEM((CH, D), jnp.float32),
        pltpu.VMEM((CH,), jnp.float32),
        pltpu.SemaphoreType.DMA,
        pltpu.SemaphoreType.DMA,
    ],
)
def _cml_kernel(uid_hbm, iid_hbm, emb_u_hbm, emb_i_hbm, out_hbm,
                uidx, iidx, eu, ei, outb, sem_u, sem_i):
    wid = lax.axis_index("s") * NC + lax.axis_index("c")
    wbase = wid * RPW

    lane = lax.iota(jnp.int32, 16)
    rots = [(lane + d) & 15 for d in range(D)]

    def chunk_body(c, carry):
        off = wbase + c * CH
        pltpu.sync_copy(uid_hbm.at[pl.ds(off, CH)], uidx)
        pltpu.sync_copy(iid_hbm.at[pl.ds(off, CH)], iidx)

        copies = []
        for j in range(NGB):
            s = j * GB
            copies.append(pltpu.async_copy(
                emb_u_hbm.at[uidx.at[pl.ds(s, GB)]], eu.at[pl.ds(s, GB)], sem_u))
            copies.append(pltpu.async_copy(
                emb_i_hbm.at[iidx.at[pl.ds(s, GB)]], ei.at[pl.ds(s, GB)], sem_i))
        for cp in copies:
            cp.wait()

        def blk_body(b, carry2):
            row = lane + b * 16
            acc = jnp.zeros((16,), jnp.float32)
            for d in range(D):
                vu = plsc.load_gather(eu, [row, rots[d]])
                vi = plsc.load_gather(ei, [row, rots[d]])
                t = vu - vi
                acc = acc + t * t
            outb[pl.ds(b * 16, 16)] = -acc
            return carry2

        lax.fori_loop(0, NBLK, blk_body, 0, unroll=False)
        pltpu.sync_copy(outb, out_hbm.at[pl.ds(off, CH)])
        return carry

    lax.fori_loop(0, NCH, chunk_body, 0, unroll=False)


def kernel(user_ids, item_ids, emb_user, emb_item):
    uid = user_ids.reshape(-1).astype(jnp.int32)
    iid = item_ids.reshape(-1).astype(jnp.int32)
    out = _cml_kernel(uid, iid, emb_user, emb_item)
    return out.reshape(B, L)

# --- scband reference (transcript-rebuilt; emitter-appended) ---
"""Pipeline reference for scband-cml-2637109920077 (READ-ONLY COPY).

The authoritative reference and input builder live on the scoring server;
editing this copy changes nothing except your own understanding.
"""

import jax, jax.numpy as jnp
import numpy as np

N_USERS = 1000000
N_ITEMS = 1000000
N_FACTOR = 16
B = 16384
L = 50

def setup_inputs(seed: int = 0) -> dict:
    key = jax.random.key(seed)
    k1, k2, k3, k4 = jax.random.split(key, 4)
    user_ids = jax.random.randint(k1, (B, L), 0, N_USERS, dtype=jnp.int64 if jax.config.jax_enable_x64 else jnp.int32)
    item_ids = jax.random.randint(k2, (B, L), 0, N_ITEMS, dtype=jnp.int64 if jax.config.jax_enable_x64 else jnp.int32)
    emb_user = jax.random.normal(k3, (N_USERS, N_FACTOR), dtype=jnp.float32)
    emb_item = jax.random.normal(k4, (N_ITEMS, N_FACTOR), dtype=jnp.float32)
    return {"user_ids": user_ids, "item_ids": item_ids, "emb_user": emb_user, "emb_item": emb_item}

def reference(user_ids, item_ids, emb_user, emb_item):
    # CML forward: negative squared Euclidean distance between user and item embeddings
    eu = jnp.take(emb_user, user_ids, axis=0)  # [B, L, d]
    ei = jnp.take(emb_item, item_ids, axis=0)  # [B, L, d]
    res = -((eu - ei) ** 2)
    res = res.sum(axis=2)  # [B, L]
    return res

if __name__ == "__main__":
    import jax
    _d = setup_inputs()
    print(jax.jit(kernel)(*tuple(_d.values())))

</pallas_src>

<mosaic_0001>
#map = affine_map<(d0, d1) -> (0)>
#map1 = affine_map<(d0, d1) -> (0, 0)>
module attributes {stable_mosaic.version = 14 : i64} {
  func.func @_cml_kernel(%arg0: i32, %arg1: i32, %arg2: memref<819200xi32, #tpu.memory_space<hbm>>, %arg3: memref<819200xi32, #tpu.memory_space<hbm>>, %arg4: memref<1000000x16xf32, #tpu.memory_space<hbm>>, %arg5: memref<1000000x16xf32, #tpu.memory_space<hbm>>, %arg6: memref<819200xf32, #tpu.memory_space<hbm>>, %arg7: memref<1024xi32, #tpu.memory_space<vmem>>, %arg8: memref<1024xi32, #tpu.memory_space<vmem>>, %arg9: memref<1024x16xf32, #tpu.memory_space<vmem>>, %arg10: memref<1024x16xf32, #tpu.memory_space<vmem>>, %arg11: memref<1024xf32, #tpu.memory_space<vmem>>, %arg12: memref<!tpu.dma_semaphore, #tpu.memory_space<semaphore_mem>>, %arg13: memref<!tpu.dma_semaphore, #tpu.memory_space<semaphore_mem>>) attributes {dimension_semantics = [#tpu.dimension_semantics<core_parallel>, #tpu.dimension_semantics<subcore_parallel>], iteration_bounds = array<i64: 2, 16>, scalar_prefetch = 0 : i64, scratch_operands = 7 : i64, tpu.core_type = #tpu.core_type<sc_vector_subcore>, window_params = [{transform_indices = #map}, {transform_indices = #map}, {transform_indices = #map1}, {transform_indices = #map1}, {transform_indices = #map}]} {
    %mul3A = arith.constant 2 : i32
    %mul3A_0 = arith.muli %arg1, %mul3A : i32
    %add3A = arith.addi %mul3A_0, %arg0 : i32
    %mul3A_1 = arith.constant 25600 : i32
    %mul3A_2 = arith.muli %add3A, %mul3A_1 : i32
    %iota3A = tpu.iota {dimensions = array<i32: 0>} : vector<16xi32>
    %add3A_3 = arith.constant 0 : i32
    %add3A_4 = vector.broadcast %add3A_3 : i32 to vector<16xi32>
    %add3A_5 = arith.addi %iota3A, %add3A_4 : vector<16xi32>
    %and3A = arith.constant 15 : i32
    %and3A_6 = vector.broadcast %and3A : i32 to vector<16xi32>
    %and3A_7 = arith.andi %add3A_5, %and3A_6 : vector<16xi32>
    %add3A_8 = arith.constant 1 : i32
    %add3A_9 = vector.broadcast %add3A_8 : i32 to vector<16xi32>
    %add3A_10 = arith.addi %iota3A, %add3A_9 : vector<16xi32>
    %and3A_11 = arith.constant 15 : i32
    %and3A_12 = vector.broadcast %and3A_11 : i32 to vector<16xi32>
    %and3A_13 = arith.andi %add3A_10, %and3A_12 : vector<16xi32>
    %add3A_14 = arith.constant 2 : i32
    %add3A_15 = vector.broadcast %add3A_14 : i32 to vector<16xi32>
    %add3A_16 = arith.addi %iota3A, %add3A_15 : vector<16xi32>
    %and3A_17 = arith.constant 15 : i32
    %and3A_18 = vector.broadcast %and3A_17 : i32 to vector<16xi32>
    %and3A_19 = arith.andi %add3A_16, %and3A_18 : vector<16xi32>
    %add3A_20 = arith.constant 3 : i32
    %add3A_21 = vector.broadcast %add3A_20 : i32 to vector<16xi32>
    %add3A_22 = arith.addi %iota3A, %add3A_21 : vector<16xi32>
    %and3A_23 = arith.constant 15 : i32
    %and3A_24 = vector.broadcast %and3A_23 : i32 to vector<16xi32>
    %and3A_25 = arith.andi %add3A_22, %and3A_24 : vector<16xi32>
    %add3A_26 = arith.constant 4 : i32
    %add3A_27 = vector.broadcast %add3A_26 : i32 to vector<16xi32>
    %add3A_28 = arith.addi %iota3A, %add3A_27 : vector<16xi32>
    %and3A_29 = arith.constant 15 : i32
    %and3A_30 = vector.broadcast %and3A_29 : i32 to vector<16xi32>
    %and3A_31 = arith.andi %add3A_28, %and3A_30 : vector<16xi32>
    %add3A_32 = arith.constant 5 : i32
    %add3A_33 = vector.broadcast %add3A_32 : i32 to vector<16xi32>
    %add3A_34 = arith.addi %iota3A, %add3A_33 : vector<16xi32>
    %and3A_35 = arith.constant 15 : i32
    %and3A_36 = vector.broadcast %and3A_35 : i32 to vector<16xi32>
    %and3A_37 = arith.andi %add3A_34, %and3A_36 : vector<16xi32>
    %add3A_38 = arith.constant 6 : i32
    %add3A_39 = vector.broadcast %add3A_38 : i32 to vector<16xi32>
    %add3A_40 = arith.addi %iota3A, %add3A_39 : vector<16xi32>
    %and3A_41 = arith.constant 15 : i32
    %and3A_42 = vector.broadcast %and3A_41 : i32 to vector<16xi32>
    %and3A_43 = arith.andi %add3A_40, %and3A_42 : vector<16xi32>
    %add3A_44 = arith.constant 7 : i32
    %add3A_45 = vector.broadcast %add3A_44 : i32 to vector<16xi32>
    %add3A_46 = arith.addi %iota3A, %add3A_45 : vector<16xi32>
    %and3A_47 = arith.constant 15 : i32
    %and3A_48 = vector.broadcast %and3A_47 : i32 to vector<16xi32>
    %and3A_49 = arith.andi %add3A_46, %and3A_48 : vector<16xi32>
    %add3A_50 = arith.constant 8 : i32
    %add3A_51 = vector.broadcast %add3A_50 : i32 to vector<16xi32>
    %add3A_52 = arith.addi %iota3A, %add3A_51 : vector<16xi32>
    %and3A_53 = arith.constant 15 : i32
    %and3A_54 = vector.broadcast %and3A_53 : i32 to vector<16xi32>
    %and3A_55 = arith.andi %add3A_52, %and3A_54 : vector<16xi32>
    %add3A_56 = arith.constant 9 : i32
    %add3A_57 = vector.broadcast %add3A_56 : i32 to vector<16xi32>
    %add3A_58 = arith.addi %iota3A, %add3A_57 : vector<16xi32>
    %and3A_59 = arith.constant 15 : i32
    %and3A_60 = vector.broadcast %and3A_59 : i32 to vector<16xi32>
    %and3A_61 = arith.andi %add3A_58, %and3A_60 : vector<16xi32>
    %add3A_62 = arith.constant 10 : i32
    %add3A_63 = vector.broadcast %add3A_62 : i32 to vector<16xi32>
    %add3A_64 = arith.addi %iota3A, %add3A_63 : vector<16xi32>
    %and3A_65 = arith.constant 15 : i32
    %and3A_66 = vector.broadcast %and3A_65 : i32 to vector<16xi32>
    %and3A_67 = arith.andi %add3A_64, %and3A_66 : vector<16xi32>
    %add3A_68 = arith.constant 11 : i32
    %add3A_69 = vector.broadcast %add3A_68 : i32 to vector<16xi32>
    %add3A_70 = arith.addi %iota3A, %add3A_69 : vector<16xi32>
    %and3A_71 = arith.constant 15 : i32
    %and3A_72 = vector.broadcast %and3A_71 : i32 to vector<16xi32>
    %and3A_73 = arith.andi %add3A_70, %and3A_72 : vector<16xi32>
    %add3A_74 = arith.constant 12 : i32
    %add3A_75 = vector.broadcast %add3A_74 : i32 to vector<16xi32>
    %add3A_76 = arith.addi %iota3A, %add3A_75 : vector<16xi32>
    %and3A_77 = arith.constant 15 : i32
    %and3A_78 = vector.broadcast %and3A_77 : i32 to vector<16xi32>
    %and3A_79 = arith.andi %add3A_76, %and3A_78 : vector<16xi32>
    %add3A_80 = arith.constant 13 : i32
    %add3A_81 = vector.broadcast %add3A_80 : i32 to vector<16xi32>
    %add3A_82 = arith.addi %iota3A, %add3A_81 : vector<16xi32>
    %and3A_83 = arith.constant 15 : i32
    %and3A_84 = vector.broadcast %and3A_83 : i32 to vector<16xi32>
    %and3A_85 = arith.andi %add3A_82, %and3A_84 : vector<16xi32>
    %add3A_86 = arith.constant 14 : i32
    %add3A_87 = vector.broadcast %add3A_86 : i32 to vector<16xi32>
    %add3A_88 = arith.addi %iota3A, %add3A_87 : vector<16xi32>
    %and3A_89 = arith.constant 15 : i32
    %and3A_90 = vector.broadcast %and3A_89 : i32 to vector<16xi32>
    %and3A_91 = arith.andi %add3A_88, %and3A_90 : vector<16xi32>
    %add3A_92 = arith.constant 15 : i32
    %add3A_93 = vector.broadcast %add3A_92 : i32 to vector<16xi32>
    %add3A_94 = arith.addi %iota3A, %add3A_93 : vector<16xi32>
    %and3A_95 = arith.constant 15 : i32
    %and3A_96 = vector.broadcast %and3A_95 : i32 to vector<16xi32>
    %and3A_97 = arith.andi %add3A_94, %and3A_96 : vector<16xi32>
    %scan3A = arith.constant 0 : i32
    %scan3A_98 = arith.constant 0 : i32
    %scan3A_99 = arith.constant 25 : i32
    %scan3A_100 = arith.addi %scan3A_98, %scan3A_99 : i32
    %scan3A_101 = arith.constant 1 : i32
    scf.for %scan3A_103 = %scan3A_98 to %scan3A_100 step %scan3A_101  : i32 {
      %mul3A_104 = arith.constant 1024 : i32
      %mul3A_105 = arith.muli %scan3A_103, %mul3A_104 : i32
      %add3A_106 = arith.addi %mul3A_2, %mul3A_105 : i32
      "tpu.region"() ({
        %run_scoped3A = tpu.sem_alloc : memref<!tpu.dma_semaphore, #tpu.memory_space<semaphore_mem>>
        %dma_start3A_367 = tpu.memref_slice %arg2[%add3A_106] : memref<819200xi32, #tpu.memory_space<hbm>> -> memref<1024xi32, #tpu.memory_space<hbm>>
        %dma_start3A_368 = tpu.memref_slice %arg2[%add3A_106] : memref<819200xi32, #tpu.memory_space<hbm>> -> memref<1024xi32, #tpu.memory_space<hbm>>
        tpu.enqueue_dma source(%dma_start3A_368 : memref<1024xi32, #tpu.memory_space<hbm>>) target(%arg7 : memref<1024xi32, #tpu.memory_space<vmem>>) target_semaphore(%run_scoped3A : memref<!tpu.dma_semaphore, #tpu.memory_space<semaphore_mem>>)
        %dma_wait3A_369 = tpu.memref_slice %arg2[%add3A_106] : memref<819200xi32, #tpu.memory_space<hbm>> -> memref<1024xi32, #tpu.memory_space<hbm>>
        %dma_wait3A_370 = tpu.memref_slice %arg2[%add3A_106] : memref<819200xi32, #tpu.memory_space<hbm>> -> memref<1024xi32, #tpu.memory_space<hbm>>
        tpu.wait_dma2 semaphore(%run_scoped3A : memref<!tpu.dma_semaphore, #tpu.memory_space<semaphore_mem>>) src(%dma_wait3A_370 : memref<1024xi32, #tpu.memory_space<hbm>>) dst(%arg7 : memref<1024xi32, #tpu.memory_space<vmem>>)
        tpu.yield
      }) : () -> ()
      "tpu.region"() ({
        %run_scoped3A = tpu.sem_alloc : memref<!tpu.dma_semaphore, #tpu.memory_space<semaphore_mem>>
        %dma_start3A_367 = tpu.memref_slice %arg3[%add3A_106] : memref<819200xi32, #tpu.memory_space<hbm>> -> memref<1024xi32, #tpu.memory_space<hbm>>
        %dma_start3A_368 = tpu.memref_slice %arg3[%add3A_106] : memref<819200xi32, #tpu.memory_space<hbm>> -> memref<1024xi32, #tpu.memory_space<hbm>>
        tpu.enqueue_dma source(%dma_start3A_368 : memref<1024xi32, #tpu.memory_space<hbm>>) target(%arg8 : memref<1024xi32, #tpu.memory_space<vmem>>) target_semaphore(%run_scoped3A : memref<!tpu.dma_semaphore, #tpu.memory_space<semaphore_mem>>)
        %dma_wait3A_369 = tpu.memref_slice %arg3[%add3A_106] : memref<819200xi32, #tpu.memory_space<hbm>> -> memref<1024xi32, #tpu.memory_space<hbm>>
        %dma_wait3A_370 = tpu.memref_slice %arg3[%add3A_106] : memref<819200xi32, #tpu.memory_space<hbm>> -> memref<1024xi32, #tpu.memory_space<hbm>>
        tpu.wait_dma2 semaphore(%run_scoped3A : memref<!tpu.dma_semaphore, #tpu.memory_space<semaphore_mem>>) src(%dma_wait3A_370 : memref<1024xi32, #tpu.memory_space<hbm>>) dst(%arg8 : memref<1024xi32, #tpu.memory_space<vmem>>)
        tpu.yield
      }) : () -> ()
      %dma_start3A = arith.constant 0 : i32
      %dma_start3A_107 = arith.constant 0 : i32
      %dma_start3A_108 = tpu.memref_slice %arg9[%dma_start3A, %dma_start3A_107] : memref<1024x16xf32, #tpu.memory_space<vmem>> -> memref<128x16xf32, #tpu.memory_space<vmem>>
      %dma_start3A_109 = arith.constant 0 : i32
      %dma_start3A_110 = tpu.memref_slice %arg7[%dma_start3A_109] : memref<1024xi32, #tpu.memory_space<vmem>> -> memref<128xi32, #tpu.memory_space<vmem>>
      %dma_start3A_111 = arith.constant 0 : i32
      %dma_start3A_112 = arith.constant 0 : i32
      %dma_start3A_113 = tpu.memref_slice %arg4[%dma_start3A_111, %dma_start3A_112] : memref<1000000x16xf32, #tpu.memory_space<hbm>> -> memref<1000000x16xf32, #tpu.memory_space<hbm>>
      tpu.enqueue_indirect_dma source(%dma_start3A_113 : memref<1000000x16xf32, #tpu.memory_space<hbm>>) target(%dma_start3A_108 : memref<128x16xf32, #tpu.memory_space<vmem>>) offsets(%dma_start3A_110 : memref<128xi32, #tpu.memory_space<vmem>>) semaphore(%arg12 : memref<!tpu.dma_semaphore, #tpu.memory_space<semaphore_mem>>)
      %dma_start3A_114 = arith.constant 0 : i32
      %dma_start3A_115 = arith.constant 0 : i32
      %dma_start3A_116 = tpu.memref_slice %arg10[%dma_start3A_114, %dma_start3A_115] : memref<1024x16xf32, #tpu.memory_space<vmem>> -> memref<128x16xf32, #tpu.memory_space<vmem>>
      %dma_start3A_117 = arith.constant 0 : i32
      %dma_start3A_118 = tpu.memref_slice %arg8[%dma_start3A_117] : memref<1024xi32, #tpu.memory_space<vmem>> -> memref<128xi32, #tpu.memory_space<vmem>>
      %dma_start3A_119 = arith.constant 0 : i32
      %dma_start3A_120 = arith.constant 0 : i32
      %dma_start3A_121 = tpu.memref_slice %arg5[%dma_start3A_119, %dma_start3A_120] : memref<1000000x16xf32, #tpu.memory_space<hbm>> -> memref<1000000x16xf32, #tpu.memory_space<hbm>>
      tpu.enqueue_indirect_dma source(%dma_start3A_121 : memref<1000000x16xf32, #tpu.memory_space<hbm>>) target(%dma_start3A_116 : memref<128x16xf32, #tpu.memory_space<vmem>>) offsets(%dma_start3A_118 : memref<128xi32, #tpu.memory_space<vmem>>) semaphore(%arg13 : memref<!tpu.dma_semaphore, #tpu.memory_space<semaphore_mem>>)
      %dma_start3A_122 = arith.constant 128 : i32
      %dma_start3A_123 = arith.constant 0 : i32
      %dma_start3A_124 = tpu.memref_slice %arg9[%dma_start3A_122, %dma_start3A_123] : memref<1024x16xf32, #tpu.memory_space<vmem>> -> memref<128x16xf32, #tpu.memory_space<vmem>>
      %dma_start3A_125 = arith.constant 128 : i32
      %dma_start3A_126 = tpu.memref_slice %arg7[%dma_start3A_125] : memref<1024xi32, #tpu.memory_space<vmem>> -> memref<128xi32, #tpu.memory_space<vmem>>
      %dma_start3A_127 = arith.constant 0 : i32
      %dma_start3A_128 = arith.constant 0 : i32
      %dma_start3A_129 = tpu.memref_slice %arg4[%dma_start3A_127, %dma_start3A_128] : memref<1000000x16xf32, #tpu.memory_space<hbm>> -> memref<1000000x16xf32, #tpu.memory_space<hbm>>
      tpu.enqueue_indirect_dma source(%dma_start3A_129 : memref<1000000x16xf32, #tpu.memory_space<hbm>>) target(%dma_start3A_124 : memref<128x16xf32, #tpu.memory_space<vmem>>) offsets(%dma_start3A_126 : memref<128xi32, #tpu.memory_space<vmem>>) semaphore(%arg12 : memref<!tpu.dma_semaphore, #tpu.memory_space<semaphore_mem>>)
      %dma_start3A_130 = arith.constant 128 : i32
      %dma_start3A_131 = arith.constant 0 : i32
      %dma_start3A_132 = tpu.memref_slice %arg10[%dma_start3A_130, %dma_start3A_131] : memref<1024x16xf32, #tpu.memory_space<vmem>> -> memref<128x16xf32, #tpu.memory_space<vmem>>
      %dma_start3A_133 = arith.constant 128 : i32
      %dma_start3A_134 = tpu.memref_slice %arg8[%dma_start3A_133] : memref<1024xi32, #tpu.memory_space<vmem>> -> memref<128xi32, #tpu.memory_space<vmem>>
      %dma_start3A_135 = arith.constant 0 : i32
      %dma_start3A_136 = arith.constant 0 : i32
      %dma_start3A_137 = tpu.memref_slice %arg5[%dma_start3A_135, %dma_start3A_136] : memref<1000000x16xf32, #tpu.memory_space<hbm>> -> memref<1000000x16xf32, #tpu.memory_space<hbm>>
      tpu.enqueue_indirect_dma source(%dma_start3A_137 : memref<1000000x16xf32, #tpu.memory_space<hbm>>) target(%dma_start3A_132 : memref<128x16xf32, #tpu.memory_space<vmem>>) offsets(%dma_start3A_134 : memref<128xi32, #tpu.memory_space<vmem>>) semaphore(%arg13 : memref<!tpu.dma_semaphore, #tpu.memory_space<semaphore_mem>>)
      %dma_start3A_138 = arith.constant 256 : i32
      %dma_start3A_139 = arith.constant 0 : i32
      %dma_start3A_140 = tpu.memref_slice %arg9[%dma_start3A_138, %dma_start3A_139] : memref<1024x16xf32, #tpu.memory_space<vmem>> -> memref<128x16xf32, #tpu.memory_space<vmem>>
      %dma_start3A_141 = arith.constant 256 : i32
      %dma_start3A_142 = tpu.memref_slice %arg7[%dma_start3A_141] : memref<1024xi32, #tpu.memory_space<vmem>> -> memref<128xi32, #tpu.memory_space<vmem>>
      %dma_start3A_143 = arith.constant 0 : i32
      %dma_start3A_144 = arith.constant 0 : i32
      %dma_start3A_145 = tpu.memref_slice %arg4[%dma_start3A_143, %dma_start3A_144] : memref<1000000x16xf32, #tpu.memory_space<hbm>> -> memref<1000000x16xf32, #tpu.memory_space<hbm>>
      tpu.enqueue_indirect_dma source(%dma_start3A_145 : memref<1000000x16xf32, #tpu.memory_space<hbm>>) target(%dma_start3A_140 : memref<128x16xf32, #tpu.memory_space<vmem>>) offsets(%dma_start3A_142 : memref<128xi32, #tpu.memory_space<vmem>>) semaphore(%arg12 : memref<!tpu.dma_semaphore, #tpu.memory_space<semaphore_mem>>)
      %dma_start3A_146 = arith.constant 256 : i32
      %dma_start3A_147 = arith.constant 0 : i32
      %dma_start3A_148 = tpu.memref_slice %arg10[%dma_start3A_146, %dma_start3A_147] : memref<1024x16xf32, #tpu.memory_space<vmem>> -> memref<128x16xf32, #tpu.memory_space<vmem>>
      %dma_start3A_149 = arith.constant 256 : i32
      %dma_start3A_150 = tpu.memref_slice %arg8[%dma_start3A_149] : memref<1024xi32, #tpu.memory_space<vmem>> -> memref<128xi32, #tpu.memory_space<vmem>>
      %dma_start3A_151 = arith.constant 0 : i32
      %dma_start3A_152 = arith.constant 0 : i32
      %dma_start3A_153 = tpu.memref_slice %arg5[%dma_start3A_151, %dma_start3A_152] : memref<1000000x16xf32, #tpu.memory_space<hbm>> -> memref<1000000x16xf32, #tpu.memory_space<hbm>>
      tpu.enqueue_indirect_dma source(%dma_start3A_153 : memref<1000000x16xf32, #tpu.memory_space<hbm>>) target(%dma_start3A_148 : memref<128x16xf32, #tpu.memory_space<vmem>>) offsets(%dma_start3A_150 : memref<128xi32, #tpu.memory_space<vmem>>) semaphore(%arg13 : memref<!tpu.dma_semaphore, #tpu.memory_space<semaphore_mem>>)
      %dma_start3A_154 = arith.constant 384 : i32
      %dma_start3A_155 = arith.constant 0 : i32
      %dma_start3A_156 = tpu.memref_slice %arg9[%dma_start3A_154, %dma_start3A_155] : memref<1024x16xf32, #tpu.memory_space<vmem>> -> memref<128x16xf32, #tpu.memory_space<vmem>>
      %dma_start3A_157 = arith.constant 384 : i32
      %dma_start3A_158 = tpu.memref_slice %arg7[%dma_start3A_157] : memref<1024xi32, #tpu.memory_space<vmem>> -> memref<128xi32, #tpu.memory_space<vmem>>
      %dma_start3A_159 = arith.constant 0 : i32
      %dma_start3A_160 = arith.constant 0 : i32
      %dma_start3A_161 = tpu.memref_slice %arg4[%dma_start3A_159, %dma_start3A_160] : memref<1000000x16xf32, #tpu.memory_space<hbm>> -> memref<1000000x16xf32, #tpu.memory_space<hbm>>
      tpu.enqueue_indirect_dma source(%dma_start3A_161 : memref<1000000x16xf32, #tpu.memory_space<hbm>>) target(%dma_start3A_156 : memref<128x16xf32, #tpu.memory_space<vmem>>) offsets(%dma_start3A_158 : memref<128xi32, #tpu.memory_space<vmem>>) semaphore(%arg12 : memref<!tpu.dma_semaphore, #tpu.memory_space<semaphore_mem>>)
      %dma_start3A_162 = arith.constant 384 : i32
      %dma_start3A_163 = arith.constant 0 : i32
      %dma_start3A_164 = tpu.memref_slice %arg10[%dma_start3A_162, %dma_start3A_163] : memref<1024x16xf32, #tpu.memory_space<vmem>> -> memref<128x16xf32, #tpu.memory_space<vmem>>
      %dma_start3A_165 = arith.constant 384 : i32
      %dma_start3A_166 = tpu.memref_slice %arg8[%dma_start3A_165] : memref<1024xi32, #tpu.memory_space<vmem>> -> memref<128xi32, #tpu.memory_space<vmem>>
      %dma_start3A_167 = arith.constant 0 : i32
      %dma_start3A_168 = arith.constant 0 : i32
      %dma_start3A_169 = tpu.memref_slice %arg5[%dma_start3A_167, %dma_start3A_168] : memref<1000000x16xf32, #tpu.memory_space<hbm>> -> memref<1000000x16xf32, #tpu.memory_space<hbm>>
      tpu.enqueue_indirect_dma source(%dma_start3A_169 : memref<1000000x16xf32, #tpu.memory_space<hbm>>) target(%dma_start3A_164 : memref<128x16xf32, #tpu.memory_space<vmem>>) offsets(%dma_start3A_166 : memref<128xi32, #tpu.memory_space<vmem>>) semaphore(%arg13 : memref<!tpu.dma_semaphore, #tpu.memory_space<semaphore_mem>>)
      %dma_start3A_170 = arith.constant 512 : i32
      %dma_start3A_171 = arith.constant 0 : i32
      %dma_start3A_172 = tpu.memref_slice %arg9[%dma_start3A_170, %dma_start3A_171] : memref<1024x16xf32, #tpu.memory_space<vmem>> -> memref<128x16xf32, #tpu.memory_space<vmem>>
      %dma_start3A_173 = arith.constant 512 : i32
      %dma_start3A_174 = tpu.memref_slice %arg7[%dma_start3A_173] : memref<1024xi32, #tpu.memory_space<vmem>> -> memref<128xi32, #tpu.memory_space<vmem>>
      %dma_start3A_175 = arith.constant 0 : i32
      %dma_start3A_176 = arith.constant 0 : i32
      %dma_start3A_177 = tpu.memref_slice %arg4[%dma_start3A_175, %dma_start3A_176] : memref<1000000x16xf32, #tpu.memory_space<hbm>> -> memref<1000000x16xf32, #tpu.memory_space<hbm>>
      tpu.enqueue_indirect_dma source(%dma_start3A_177 : memref<1000000x16xf32, #tpu.memory_space<hbm>>) target(%dma_start3A_172 : memref<128x16xf32, #tpu.memory_space<vmem>>) offsets(%dma_start3A_174 : memref<128xi32, #tpu.memory_space<vmem>>) semaphore(%arg12 : memref<!tpu.dma_semaphore, #tpu.memory_space<semaphore_mem>>)
      %dma_start3A_178 = arith.constant 512 : i32
      %dma_start3A_179 = arith.constant 0 : i32
      %dma_start3A_180 = tpu.memref_slice %arg10[%dma_start3A_178, %dma_start3A_179] : memref<1024x16xf32, #tpu.memory_space<vmem>> -> memref<128x16xf32, #tpu.memory_space<vmem>>
      %dma_start3A_181 = arith.constant 512 : i32
      %dma_start3A_182 = tpu.memref_slice %arg8[%dma_start3A_181] : memref<1024xi32, #tpu.memory_space<vmem>> -> memref<128xi32, #tpu.memory_space<vmem>>
      %dma_start3A_183 = arith.constant 0 : i32
      %dma_start3A_184 = arith.constant 0 : i32
      %dma_start3A_185 = tpu.memref_slice %arg5[%dma_start3A_183, %dma_start3A_184] : memref<1000000x16xf32, #tpu.memory_space<hbm>> -> memref<1000000x16xf32, #tpu.memory_space<hbm>>
      tpu.enqueue_indirect_dma source(%dma_start3A_185 : memref<1000000x16xf32, #tpu.memory_space<hbm>>) target(%dma_start3A_180 : memref<128x16xf32, #tpu.memory_space<vmem>>) offsets(%dma_start3A_182 : memref<128xi32, #tpu.memory_space<vmem>>) semaphore(%arg13 : memref<!tpu.dma_semaphore, #tpu.memory_space<semaphore_mem>>)
      %dma_start3A_186 = arith.constant 640 : i32
      %dma_start3A_187 = arith.constant 0 : i32
      %dma_start3A_188 = tpu.memref_slice %arg9[%dma_start3A_186, %dma_start3A_187] : memref<1024x16xf32, #tpu.memory_space<vmem>> -> memref<128x16xf32, #tpu.memory_space<vmem>>
      %dma_start3A_189 = arith.constant 640 : i32
      %dma_start3A_190 = tpu.memref_slice %arg7[%dma_start3A_189] : memref<1024xi32, #tpu.memory_space<vmem>> -> memref<128xi32, #tpu.memory_space<vmem>>
      %dma_start3A_191 = arith.constant 0 : i32
      %dma_start3A_192 = arith.constant 0 : i32
      %dma_start3A_193 = tpu.memref_slice %arg4[%dma_start3A_191, %dma_start3A_192] : memref<1000000x16xf32, #tpu.memory_space<hbm>> -> memref<1000000x16xf32, #tpu.memory_space<hbm>>
      tpu.enqueue_indirect_dma source(%dma_start3A_193 : memref<1000000x16xf32, #tpu.memory_space<hbm>>) target(%dma_start3A_188 : memref<128x16xf32, #tpu.memory_space<vmem>>) offsets(%dma_start3A_190 : memref<128xi32, #tpu.memory_space<vmem>>) semaphore(%arg12 : memref<!tpu.dma_semaphore, #tpu.memory_space<semaphore_mem>>)
      %dma_start3A_194 = arith.constant 640 : i32
      %dma_start3A_195 = arith.constant 0 : i32
      %dma_start3A_196 = tpu.memref_slice %arg10[%dma_start3A_194, %dma_start3A_195] : memref<1024x16xf32, #tpu.memory_space<vmem>> -> memref<128x16xf32, #tpu.memory_space<vmem>>
      %dma_start3A_197 = arith.constant 640 : i32
      %dma_start3A_198 = tpu.memref_slice %arg8[%dma_start3A_197] : memref<1024xi32, #tpu.memory_space<vmem>> -> memref<128xi32, #tpu.memory_space<vmem>>
      %dma_start3A_199 = arith.constant 0 : i32
      %dma_start3A_200 = arith.constant 0 : i32
      %dma_start3A_201 = tpu.memref_slice %arg5[%dma_start3A_199, %dma_start3A_200] : memref<1000000x16xf32, #tpu.memory_space<hbm>> -> memref<1000000x16xf32, #tpu.memory_space<hbm>>
      tpu.enqueue_indirect_dma source(%dma_start3A_201 : memref<1000000x16xf32, #tpu.memory_space<hbm>>) target(%dma_start3A_196 : memref<128x16xf32, #tpu.memory_space<vmem>>) offsets(%dma_start3A_198 : memref<128xi32, #tpu.memory_space<vmem>>) semaphore(%arg13 : memref<!tpu.dma_semaphore, #tpu.memory_space<semaphore_mem>>)
      %dma_start3A_202 = arith.constant 768 : i32
      %dma_start3A_203 = arith.constant 0 : i32
      %dma_start3A_204 = tpu.memref_slice %arg9[%dma_start3A_202, %dma_start3A_203] : memref<1024x16xf32, #tpu.memory_space<vmem>> -> memref<128x16xf32, #tpu.memory_space<vmem>>
      %dma_start3A_205 = arith.constant 768 : i32
      %dma_start3A_206 = tpu.memref_slice %arg7[%dma_start3A_205] : memref<1024xi32, #tpu.memory_space<vmem>> -> memref<128xi32, #tpu.memory_space<vmem>>
      %dma_start3A_207 = arith.constant 0 : i32
      %dma_start3A_208 = arith.constant 0 : i32
      %dma_start3A_209 = tpu.memref_slice %arg4[%dma_start3A_207, %dma_start3A_208] : memref<1000000x16xf32, #tpu.memory_space<hbm>> -> memref<1000000x16xf32, #tpu.memory_space<hbm>>
      tpu.enqueue_indirect_dma source(%dma_start3A_209 : memref<1000000x16xf32, #tpu.memory_space<hbm>>) target(%dma_start3A_204 : memref<128x16xf32, #tpu.memory_space<vmem>>) offsets(%dma_start3A_206 : memref<128xi32, #tpu.memory_space<vmem>>) semaphore(%arg12 : memref<!tpu.dma_semaphore, #tpu.memory_space<semaphore_mem>>)
      %dma_start3A_210 = arith.constant 768 : i32
      %dma_start3A_211 = arith.constant 0 : i32
      %dma_start3A_212 = tpu.memref_slice %arg10[%dma_start3A_210, %dma_start3A_211] : memref<1024x16xf32, #tpu.memory_space<vmem>> -> memref<128x16xf32, #tpu.memory_space<vmem>>
      %dma_start3A_213 = arith.constant 768 : i32
      %dma_start3A_214 = tpu.memref_slice %arg8[%dma_start3A_213] : memref<1024xi32, #tpu.memory_space<vmem>> -> memref<128xi32, #tpu.memory_space<vmem>>
      %dma_start3A_215 = arith.constant 0 : i32
      %dma_start3A_216 = arith.constant 0 : i32
      %dma_start3A_217 = tpu.memref_slice %arg5[%dma_start3A_215, %dma_start3A_216] : memref<1000000x16xf32, #tpu.memory_space<hbm>> -> memref<1000000x16xf32, #tpu.memory_space<hbm>>
      tpu.enqueue_indirect_dma source(%dma_start3A_217 : memref<1000000x16xf32, #tpu.memory_space<hbm>>) target(%dma_start3A_212 : memref<128x16xf32, #tpu.memory_space<vmem>>) offsets(%dma_start3A_214 : memref<128xi32, #tpu.memory_space<vmem>>) semaphore(%arg13 : memref<!tpu.dma_semaphore, #tpu.memory_space<semaphore_mem>>)
      %dma_start3A_218 = arith.constant 896 : i32
      %dma_start3A_219 = arith.constant 0 : i32
      %dma_start3A_220 = tpu.memref_slice %arg9[%dma_start3A_218, %dma_start3A_219] : memref<1024x16xf32, #tpu.memory_space<vmem>> -> memref<128x16xf32, #tpu.memory_space<vmem>>
      %dma_start3A_221 = arith.constant 896 : i32
      %dma_start3A_222 = tpu.memref_slice %arg7[%dma_start3A_221] : memref<1024xi32, #tpu.memory_space<vmem>> -> memref<128xi32, #tpu.memory_space<vmem>>
      %dma_start3A_223 = arith.constant 0 : i32
      %dma_start3A_224 = arith.constant 0 : i32
      %dma_start3A_225 = tpu.memref_slice %arg4[%dma_start3A_223, %dma_start3A_224] : memref<1000000x16xf32, #tpu.memory_space<hbm>> -> memref<1000000x16xf32, #tpu.memory_space<hbm>>
      tpu.enqueue_indirect_dma source(%dma_start3A_225 : memref<1000000x16xf32, #tpu.memory_space<hbm>>) target(%dma_start3A_220 : memref<128x16xf32, #tpu.memory_space<vmem>>) offsets(%dma_start3A_222 : memref<128xi32, #tpu.memory_space<vmem>>) semaphore(%arg12 : memref<!tpu.dma_semaphore, #tpu.memory_space<semaphore_mem>>)
      %dma_start3A_226 = arith.constant 896 : i32
      %dma_start3A_227 = arith.constant 0 : i32
      %dma_start3A_228 = tpu.memref_slice %arg10[%dma_start3A_226, %dma_start3A_227] : memref<1024x16xf32, #tpu.memory_space<vmem>> -> memref<128x16xf32, #tpu.memory_space<vmem>>
      %dma_start3A_229 = arith.constant 896 : i32
      %dma_start3A_230 = tpu.memref_slice %arg8[%dma_start3A_229] : memref<1024xi32, #tpu.memory_space<vmem>> -> memref<128xi32, #tpu.memory_space<vmem>>
      %dma_start3A_231 = arith.constant 0 : i32
      %dma_start3A_232 = arith.constant 0 : i32
      %dma_start3A_233 = tpu.memref_slice %arg5[%dma_start3A_231, %dma_start3A_232] : memref<1000000x16xf32, #tpu.memory_space<hbm>> -> memref<1000000x16xf32, #tpu.memory_space<hbm>>
      tpu.enqueue_indirect_dma source(%dma_start3A_233 : memref<1000000x16xf32, #tpu.memory_space<hbm>>) target(%dma_start3A_228 : memref<128x16xf32, #tpu.memory_space<vmem>>) offsets(%dma_start3A_230 : memref<128xi32, #tpu.memory_space<vmem>>) semaphore(%arg13 : memref<!tpu.dma_semaphore, #tpu.memory_space<semaphore_mem>>)
      %dma_wait3A = arith.constant 0 : i32
      %dma_wait3A_234 = arith.constant 0 : i32
      %dma_wait3A_235 = tpu.memref_slice %arg9[%dma_wait3A, %dma_wait3A_234] : memref<1024x16xf32, #tpu.memory_space<vmem>> -> memref<128x16xf32, #tpu.memory_space<vmem>>
      %dma_wait3A_236 = arith.constant 0 : i32
      %dma_wait3A_237 = tpu.memref_slice %arg7[%dma_wait3A_236] : memref<1024xi32, #tpu.memory_space<vmem>> -> memref<128xi32, #tpu.memory_space<vmem>>
      %dma_wait3A_238 = arith.constant 0 : i32
      %dma_wait3A_239 = arith.constant 0 : i32
      %dma_wait3A_240 = tpu.memref_slice %arg4[%dma_wait3A_238, %dma_wait3A_239] : memref<1000000x16xf32, #tpu.memory_space<hbm>> -> memref<1000000x16xf32, #tpu.memory_space<hbm>>
      tpu.wait_indirect_dma semaphore(%arg12 : memref<!tpu.dma_semaphore, #tpu.memory_space<semaphore_mem>>) src(%dma_wait3A_240 : memref<1000000x16xf32, #tpu.memory_space<hbm>>) dst(%dma_wait3A_235 : memref<128x16xf32, #tpu.memory_space<vmem>>)
      %dma_wait3A_241 = arith.constant 0 : i32
      %dma_wait3A_242 = arith.constant 0 : i32
      %dma_wait3A_243 = tpu.memref_slice %arg10[%dma_wait3A_241, %dma_wait3A_242] : memref<1024x16xf32, #tpu.memory_space<vmem>> -> memref<128x16xf32, #tpu.memory_space<vmem>>
      %dma_wait3A_244 = arith.constant 0 : i32
      %dma_wait3A_245 = tpu.memref_slice %arg8[%dma_wait3A_244] : memref<1024xi32, #tpu.memory_space<vmem>> -> memref<128xi32, #tpu.memory_space<vmem>>
      %dma_wait3A_246 = arith.constant 0 : i32
      %dma_wait3A_247 = arith.constant 0 : i32
      %dma_wait3A_248 = tpu.memref_slice %arg5[%dma_wait3A_246, %dma_wait3A_247] : memref<1000000x16xf32, #tpu.memory_space<hbm>> -> memref<1000000x16xf32, #tpu.memory_space<hbm>>
      tpu.wait_indirect_dma semaphore(%arg13 : memref<!tpu.dma_semaphore, #tpu.memory_space<semaphore_mem>>) src(%dma_wait3A_248 : memref<1000000x16xf32, #tpu.memory_space<hbm>>) dst(%dma_wait3A_243 : memref<128x16xf32, #tpu.memory_space<vmem>>)
      %dma_wait3A_249 = arith.constant 128 : i32
      %dma_wait3A_250 = arith.constant 0 : i32
      %dma_wait3A_251 = tpu.memref_slice %arg9[%dma_wait3A_249, %dma_wait3A_250] : memref<1024x16xf32, #tpu.memory_space<vmem>> -> memref<128x16xf32, #tpu.memory_space<vmem>>
      %dma_wait3A_252 = arith.constant 128 : i32
      %dma_wait3A_253 = tpu.memref_slice %arg7[%dma_wait3A_252] : memref<1024xi32, #tpu.memory_space<vmem>> -> memref<128xi32, #tpu.memory_space<vmem>>
      %dma_wait3A_254 = arith.constant 0 : i32
      %dma_wait3A_255 = arith.constant 0 : i32
      %dma_wait3A_256 = tpu.memref_slice %arg4[%dma_wait3A_254, %dma_wait3A_255] : memref<1000000x16xf32, #tpu.memory_space<hbm>> -> memref<1000000x16xf32, #tpu.memory_space<hbm>>
      tpu.wait_indirect_dma semaphore(%arg12 : memref<!tpu.dma_semaphore, #tpu.memory_space<semaphore_mem>>) src(%dma_wait3A_256 : memref<1000000x16xf32, #tpu.memory_space<hbm>>) dst(%dma_wait3A_251 : memref<128x16xf32, #tpu.memory_space<vmem>>)
      %dma_wait3A_257 = arith.constant 128 : i32
      %dma_wait3A_258 = arith.constant 0 : i32
      %dma_wait3A_259 = tpu.memref_slice %arg10[%dma_wait3A_257, %dma_wait3A_258] : memref<1024x16xf32, #tpu.memory_space<vmem>> -> memref<128x16xf32, #tpu.memory_space<vmem>>
      %dma_wait3A_260 = arith.constant 128 : i32
      %dma_wait3A_261 = tpu.memref_slice %arg8[%dma_wait3A_260] : memref<1024xi32, #tpu.memory_space<vmem>> -> memref<128xi32, #tpu.memory_space<vmem>>
      %dma_wait3A_262 = arith.constant 0 : i32
      %dma_wait3A_263 = arith.constant 0 : i32
      %dma_wait3A_264 = tpu.memref_slice %arg5[%dma_wait3A_262, %dma_wait3A_263] : memref<1000000x16xf32, #tpu.memory_space<hbm>> -> memref<1000000x16xf32, #tpu.memory_space<hbm>>
      tpu.wait_indirect_dma semaphore(%arg13 : memref<!tpu.dma_semaphore, #tpu.memory_space<semaphore_mem>>) src(%dma_wait3A_264 : memref<1000000x16xf32, #tpu.memory_space<hbm>>) dst(%dma_wait3A_259 : memref<128x16xf32, #tpu.memory_space<vmem>>)
      %dma_wait3A_265 = arith.constant 256 : i32
      %dma_wait3A_266 = arith.constant 0 : i32
      %dma_wait3A_267 = tpu.memref_slice %arg9[%dma_wait3A_265, %dma_wait3A_266] : memref<1024x16xf32, #tpu.memory_space<vmem>> -> memref<128x16xf32, #tpu.memory_space<vmem>>
      %dma_wait3A_268 = arith.constant 256 : i32
      %dma_wait3A_269 = tpu.memref_slice %arg7[%dma_wait3A_268] : memref<1024xi32, #tpu.memory_space<vmem>> -> memref<128xi32, #tpu.memory_space<vmem>>
      %dma_wait3A_270 = arith.constant 0 : i32
      %dma_wait3A_271 = arith.constant 0 : i32
      %dma_wait3A_272 = tpu.memref_slice %arg4[%dma_wait3A_270, %dma_wait3A_271] : memref<1000000x16xf32, #tpu.memory_space<hbm>> -> memref<1000000x16xf32, #tpu.memory_space<hbm>>
      tpu.wait_indirect_dma semaphore(%arg12 : memref<!tpu.dma_semaphore, #tpu.memory_space<semaphore_mem>>) src(%dma_wait3A_272 : memref<1000000x16xf32, #tpu.memory_space<hbm>>) dst(%dma_wait3A_267 : memref<128x16xf32, #tpu.memory_space<vmem>>)
      %dma_wait3A_273 = arith.constant 256 : i32
      %dma_wait3A_274 = arith.constant 0 : i32
      %dma_wait3A_275 = tpu.memref_slice %arg10[%dma_wait3A_273, %dma_wait3A_274] : memref<1024x16xf32, #tpu.memory_space<vmem>> -> memref<128x16xf32, #tpu.memory_space<vmem>>
      %dma_wait3A_276 = arith.constant 256 : i32
      %dma_wait3A_277 = tpu.memref_slice %arg8[%dma_wait3A_276] : memref<1024xi32, #tpu.memory_space<vmem>> -> memref<128xi32, #tpu.memory_space<vmem>>
      %dma_wait3A_278 = arith.constant 0 : i32
      %dma_wait3A_279 = arith.constant 0 : i32
      %dma_wait3A_280 = tpu.memref_slice %arg5[%dma_wait3A_278, %dma_wait3A_279] : memref<1000000x16xf32, #tpu.memory_space<hbm>> -> memref<1000000x16xf32, #tpu.memory_space<hbm>>
      tpu.wait_indirect_dma semaphore(%arg13 : memref<!tpu.dma_semaphore, #tpu.memory_space<semaphore_mem>>) src(%dma_wait3A_280 : memref<1000000x16xf32, #tpu.memory_space<hbm>>) dst(%dma_wait3A_275 : memref<128x16xf32, #tpu.memory_space<vmem>>)
      %dma_wait3A_281 = arith.constant 384 : i32
      %dma_wait3A_282 = arith.constant 0 : i32
      %dma_wait3A_283 = tpu.memref_slice %arg9[%dma_wait3A_281, %dma_wait3A_282] : memref<1024x16xf32, #tpu.memory_space<vmem>> -> memref<128x16xf32, #tpu.memory_space<vmem>>
      %dma_wait3A_284 = arith.constant 384 : i32
      %dma_wait3A_285 = tpu.memref_slice %arg7[%dma_wait3A_284] : memref<1024xi32, #tpu.memory_space<vmem>> -> memref<128xi32, #tpu.memory_space<vmem>>
      %dma_wait3A_286 = arith.constant 0 : i32
      %dma_wait3A_287 = arith.constant 0 : i32
      %dma_wait3A_288 = tpu.memref_slice %arg4[%dma_wait3A_286, %dma_wait3A_287] : memref<1000000x16xf32, #tpu.memory_space<hbm>> -> memref<1000000x16xf32, #tpu.memory_space<hbm>>
      tpu.wait_indirect_dma semaphore(%arg12 : memref<!tpu.dma_semaphore, #tpu.memory_space<semaphore_mem>>) src(%dma_wait3A_288 : memref<1000000x16xf32, #tpu.memory_space<hbm>>) dst(%dma_wait3A_283 : memref<128x16xf32, #tpu.memory_space<vmem>>)
      %dma_wait3A_289 = arith.constant 384 : i32
      %dma_wait3A_290 = arith.constant 0 : i32
      %dma_wait3A_291 = tpu.memref_slice %arg10[%dma_wait3A_289, %dma_wait3A_290] : memref<1024x16xf32, #tpu.memory_space<vmem>> -> memref<128x16xf32, #tpu.memory_space<vmem>>
      %dma_wait3A_292 = arith.constant 384 : i32
      %dma_wait3A_293 = tpu.memref_slice %arg8[%dma_wait3A_292] : memref<1024xi32, #tpu.memory_space<vmem>> -> memref<128xi32, #tpu.memory_space<vmem>>
      %dma_wait3A_294 = arith.constant 0 : i32
      %dma_wait3A_295 = arith.constant 0 : i32
      %dma_wait3A_296 = tpu.memref_slice %arg5[%dma_wait3A_294, %dma_wait3A_295] : memref<1000000x16xf32, #tpu.memory_space<hbm>> -> memref<1000000x16xf32, #tpu.memory_space<hbm>>
      tpu.wait_indirect_dma semaphore(%arg13 : memref<!tpu.dma_semaphore, #tpu.memory_space<semaphore_mem>>) src(%dma_wait3A_296 : memref<1000000x16xf32, #tpu.memory_space<hbm>>) dst(%dma_wait3A_291 : memref<128x16xf32, #tpu.memory_space<vmem>>)
      %dma_wait3A_297 = arith.constant 512 : i32
      %dma_wait3A_298 = arith.constant 0 : i32
      %dma_wait3A_299 = tpu.memref_slice %arg9[%dma_wait3A_297, %dma_wait3A_298] : memref<1024x16xf32, #tpu.memory_space<vmem>> -> memref<128x16xf32, #tpu.memory_space<vmem>>
      %dma_wait3A_300 = arith.constant 512 : i32
      %dma_wait3A_301 = tpu.memref_slice %arg7[%dma_wait3A_300] : memref<1024xi32, #tpu.memory_space<vmem>> -> memref<128xi32, #tpu.memory_space<vmem>>
      %dma_wait3A_302 = arith.constant 0 : i32
      %dma_wait3A_303 = arith.constant 0 : i32
      %dma_wait3A_304 = tpu.memref_slice %arg4[%dma_wait3A_302, %dma_wait3A_303] : memref<1000000x16xf32, #tpu.memory_space<hbm>> -> memref<1000000x16xf32, #tpu.memory_space<hbm>>
      tpu.wait_indirect_dma semaphore(%arg12 : memref<!tpu.dma_semaphore, #tpu.memory_space<semaphore_mem>>) src(%dma_wait3A_304 : memref<1000000x16xf32, #tpu.memory_space<hbm>>) dst(%dma_wait3A_299 : memref<128x16xf32, #tpu.memory_space<vmem>>)
      %dma_wait3A_305 = arith.constant 512 : i32
      %dma_wait3A_306 = arith.constant 0 : i32
      %dma_wait3A_307 = tpu.memref_slice %arg10[%dma_wait3A_305, %dma_wait3A_306] : memref<1024x16xf32, #tpu.memory_space<vmem>> -> memref<128x16xf32, #tpu.memory_space<vmem>>
      %dma_wait3A_308 = arith.constant 512 : i32
      %dma_wait3A_309 = tpu.memref_slice %arg8[%dma_wait3A_308] : memref<1024xi32, #tpu.memory_space<vmem>> -> memref<128xi32, #tpu.memory_space<vmem>>
      %dma_wait3A_310 = arith.constant 0 : i32
      %dma_wait3A_311 = arith.constant 0 : i32
      %dma_wait3A_312 = tpu.memref_slice %arg5[%dma_wait3A_310, %dma_wait3A_311] : memref<1000000x16xf32, #tpu.memory_space<hbm>> -> memref<1000000x16xf32, #tpu.memory_space<hbm>>
      tpu.wait_indirect_dma semaphore(%arg13 : memref<!tpu.dma_semaphore, #tpu.memory_space<semaphore_mem>>) src(%dma_wait3A_312 : memref<1000000x16xf32, #tpu.memory_space<hbm>>) dst(%dma_wait3A_307 : memref<128x16xf32, #tpu.memory_space<vmem>>)
      %dma_wait3A_313 = arith.constant 640 : i32
      %dma_wait3A_314 = arith.constant 0 : i32
      %dma_wait3A_315 = tpu.memref_slice %arg9[%dma_wait3A_313, %dma_wait3A_314] : memref<1024x16xf32, #tpu.memory_space<vmem>> -> memref<128x16xf32, #tpu.memory_space<vmem>>
      %dma_wait3A_316 = arith.constant 640 : i32
      %dma_wait3A_317 = tpu.memref_slice %arg7[%dma_wait3A_316] : memref<1024xi32, #tpu.memory_space<vmem>> -> memref<128xi32, #tpu.memory_space<vmem>>
      %dma_wait3A_318 = arith.constant 0 : i32
      %dma_wait3A_319 = arith.constant 0 : i32
      %dma_wait3A_320 = tpu.memref_slice %arg4[%dma_wait3A_318, %dma_wait3A_319] : memref<1000000x16xf32, #tpu.memory_space<hbm>> -> memref<1000000x16xf32, #tpu.memory_space<hbm>>
      tpu.wait_indirect_dma semaphore(%arg12 : memref<!tpu.dma_semaphore, #tpu.memory_space<semaphore_mem>>) src(%dma_wait3A_320 : memref<1000000x16xf32, #tpu.memory_space<hbm>>) dst(%dma_wait3A_315 : memref<128x16xf32, #tpu.memory_space<vmem>>)
      %dma_wait3A_321 = arith.constant 640 : i32
      %dma_wait3A_322 = arith.constant 0 : i32
      %dma_wait3A_323 = tpu.memref_slice %arg10[%dma_wait3A_321, %dma_wait3A_322] : memref<1024x16xf32, #tpu.memory_space<vmem>> -> memref<128x16xf32, #tpu.memory_space<vmem>>
      %dma_wait3A_324 = arith.constant 640 : i32
      %dma_wait3A_325 = tpu.memref_slice %arg8[%dma_wait3A_324] : memref<1024xi32, #tpu.memory_space<vmem>> -> memref<128xi32, #tpu.memory_space<vmem>>
      %dma_wait3A_326 = arith.constant 0 : i32
      %dma_wait3A_327 = arith.constant 0 : i32
      %dma_wait3A_328 = tpu.memref_slice %arg5[%dma_wait3A_326, %dma_wait3A_327] : memref<1000000x16xf32, #tpu.memory_space<hbm>> -> memref<1000000x16xf32, #tpu.memory_space<hbm>>
      tpu.wait_indirect_dma semaphore(%arg13 : memref<!tpu.dma_semaphore, #tpu.memory_space<semaphore_mem>>) src(%dma_wait3A_328 : memref<1000000x16xf32, #tpu.memory_space<hbm>>) dst(%dma_wait3A_323 : memref<128x16xf32, #tpu.memory_space<vmem>>)
      %dma_wait3A_329 = arith.constant 768 : i32
      %dma_wait3A_330 = arith.constant 0 : i32
      %dma_wait3A_331 = tpu.memref_slice %arg9[%dma_wait3A_329, %dma_wait3A_330] : memref<1024x16xf32, #tpu.memory_space<vmem>> -> memref<128x16xf32, #tpu.memory_space<vmem>>
      %dma_wait3A_332 = arith.constant 768 : i32
      %dma_wait3A_333 = tpu.memref_slice %arg7[%dma_wait3A_332] : memref<1024xi32, #tpu.memory_space<vmem>> -> memref<128xi32, #tpu.memory_space<vmem>>
      %dma_wait3A_334 = arith.constant 0 : i32
      %dma_wait3A_335 = arith.constant 0 : i32
      %dma_wait3A_336 = tpu.memref_slice %arg4[%dma_wait3A_334, %dma_wait3A_335] : memref<1000000x16xf32, #tpu.memory_space<hbm>> -> memref<1000000x16xf32, #tpu.memory_space<hbm>>
      tpu.wait_indirect_dma semaphore(%arg12 : memref<!tpu.dma_semaphore, #tpu.memory_space<semaphore_mem>>) src(%dma_wait3A_336 : memref<1000000x16xf32, #tpu.memory_space<hbm>>) dst(%dma_wait3A_331 : memref<128x16xf32, #tpu.memory_space<vmem>>)
      %dma_wait3A_337 = arith.constant 768 : i32
      %dma_wait3A_338 = arith.constant 0 : i32
      %dma_wait3A_339 = tpu.memref_slice %arg10[%dma_wait3A_337, %dma_wait3A_338] : memref<1024x16xf32, #tpu.memory_space<vmem>> -> memref<128x16xf32, #tpu.memory_space<vmem>>
      %dma_wait3A_340 = arith.constant 768 : i32
      %dma_wait3A_341 = tpu.memref_slice %arg8[%dma_wait3A_340] : memref<1024xi32, #tpu.memory_space<vmem>> -> memref<128xi32, #tpu.memory_space<vmem>>
      %dma_wait3A_342 = arith.constant 0 : i32
      %dma_wait3A_343 = arith.constant 0 : i32
      %dma_wait3A_344 = tpu.memref_slice %arg5[%dma_wait3A_342, %dma_wait3A_343] : memref<1000000x16xf32, #tpu.memory_space<hbm>> -> memref<1000000x16xf32, #tpu.memory_space<hbm>>
      tpu.wait_indirect_dma semaphore(%arg13 : memref<!tpu.dma_semaphore, #tpu.memory_space<semaphore_mem>>) src(%dma_wait3A_344 : memref<1000000x16xf32, #tpu.memory_space<hbm>>) dst(%dma_wait3A_339 : memref<128x16xf32, #tpu.memory_space<vmem>>)
      %dma_wait3A_345 = arith.constant 896 : i32
      %dma_wait3A_346 = arith.constant 0 : i32
      %dma_wait3A_347 = tpu.memref_slice %arg9[%dma_wait3A_345, %dma_wait3A_346] : memref<1024x16xf32, #tpu.memory_space<vmem>> -> memref<128x16xf32, #tpu.memory_space<vmem>>
      %dma_wait3A_348 = arith.constant 896 : i32
      %dma_wait3A_349 = tpu.memref_slice %arg7[%dma_wait3A_348] : memref<1024xi32, #tpu.memory_space<vmem>> -> memref<128xi32, #tpu.memory_space<vmem>>
      %dma_wait3A_350 = arith.constant 0 : i32
      %dma_wait3A_351 = arith.constant 0 : i32
      %dma_wait3A_352 = tpu.memref_slice %arg4[%dma_wait3A_350, %dma_wait3A_351] : memref<1000000x16xf32, #tpu.memory_space<hbm>> -> memref<1000000x16xf32, #tpu.memory_space<hbm>>
      tpu.wait_indirect_dma semaphore(%arg12 : memref<!tpu.dma_semaphore, #tpu.memory_space<semaphore_mem>>) src(%dma_wait3A_352 : memref<1000000x16xf32, #tpu.memory_space<hbm>>) dst(%dma_wait3A_347 : memref<128x16xf32, #tpu.memory_space<vmem>>)
      %dma_wait3A_353 = arith.constant 896 : i32
      %dma_wait3A_354 = arith.constant 0 : i32
      %dma_wait3A_355 = tpu.memref_slice %arg10[%dma_wait3A_353, %dma_wait3A_354] : memref<1024x16xf32, #tpu.memory_space<vmem>> -> memref<128x16xf32, #tpu.memory_space<vmem>>
      %dma_wait3A_356 = arith.constant 896 : i32
      %dma_wait3A_357 = tpu.memref_slice %arg8[%dma_wait3A_356] : memref<1024xi32, #tpu.memory_space<vmem>> -> memref<128xi32, #tpu.memory_space<vmem>>
      %dma_wait3A_358 = arith.constant 0 : i32
      %dma_wait3A_359 = arith.constant 0 : i32
      %dma_wait3A_360 = tpu.memref_slice %arg5[%dma_wait3A_358, %dma_wait3A_359] : memref<1000000x16xf32, #tpu.memory_space<hbm>> -> memref<1000000x16xf32, #tpu.memory_space<hbm>>
      tpu.wait_indirect_dma semaphore(%arg13 : memref<!tpu.dma_semaphore, #tpu.memory_space<semaphore_mem>>) src(%dma_wait3A_360 : memref<1000000x16xf32, #tpu.memory_space<hbm>>) dst(%dma_wait3A_355 : memref<128x16xf32, #tpu.memory_space<vmem>>)
      %scan3A_361 = arith.constant 0 : i32
      %scan3A_362 = arith.constant 0 : i32
      %scan3A_363 = arith.constant 64 : i32
      %scan3A_364 = arith.addi %scan3A_362, %scan3A_363 : i32
      %scan3A_365 = arith.constant 1 : i32
      scf.for %scan3A_367 = %scan3A_362 to %scan3A_364 step %scan3A_365  : i32 {
        %mul3A_368 = arith.constant 16 : i32
        %mul3A_369 = arith.muli %scan3A_367, %mul3A_368 : i32
        %add3A_370 = vector.broadcast %mul3A_369 : i32 to vector<16xi32>
        %add3A_371 = arith.addi %iota3A, %add3A_370 : vector<16xi32>
        %broadcast_in_dim3A = arith.constant 0.000000e+00 : f32
        %broadcast_in_dim3A_372 = vector.broadcast %broadcast_in_dim3A : f32 to vector<16xf32>
        %gather3A = tpu.vector_load_idx %arg9[%add3A_371, %and3A_7] : memref<1024x16xf32, #tpu.memory_space<vmem>>[vector<16xi32>, vector<16xi32>], vector<16xf32>,
        %gather3A_373 = tpu.vector_load_idx %arg10[%add3A_371, %and3A_7] : memref<1024x16xf32, #tpu.memory_space<vmem>>[vector<16xi32>, vector<16xi32>], vector<16xf32>,
        %sub3A = arith.subf %gather3A, %gather3A_373 : vector<16xf32>
        %mul3A_374 = arith.mulf %sub3A, %sub3A : vector<16xf32>
        %add3A_375 = arith.addf %broadcast_in_dim3A_372, %mul3A_374 : vector<16xf32>
        %gather3A_376 = tpu.vector_load_idx %arg9[%add3A_371, %and3A_13] : memref<1024x16xf32, #tpu.memory_space<vmem>>[vector<16xi32>, vector<16xi32>], vector<16xf32>,
        %gather3A_377 = tpu.vector_load_idx %arg10[%add3A_371, %and3A_13] : memref<1024x16xf32, #tpu.memory_space<vmem>>[vector<16xi32>, vector<16xi32>], vector<16xf32>,
        %sub3A_378 = arith.subf %gather3A_376, %gather3A_377 : vector<16xf32>
        %mul3A_379 = arith.mulf %sub3A_378, %sub3A_378 : vector<16xf32>
        %add3A_380 = arith.addf %add3A_375, %mul3A_379 : vector<16xf32>
        %gather3A_381 = tpu.vector_load_idx %arg9[%add3A_371, %and3A_19] : memref<1024x16xf32, #tpu.memory_space<vmem>>[vector<16xi32>, vector<16xi32>], vector<16xf32>,
        %gather3A_382 = tpu.vector_load_idx %arg10[%add3A_371, %and3A_19] : memref<1024x16xf32, #tpu.memory_space<vmem>>[vector<16xi32>, vector<16xi32>], vector<16xf32>,
        %sub3A_383 = arith.subf %gather3A_381, %gather3A_382 : vector<16xf32>
        %mul3A_384 = arith.mulf %sub3A_383, %sub3A_383 : vector<16xf32>
        %add3A_385 = arith.addf %add3A_380, %mul3A_384 : vector<16xf32>
        %gather3A_386 = tpu.vector_load_idx %arg9[%add3A_371, %and3A_25] : memref<1024x16xf32, #tpu.memory_space<vmem>>[vector<16xi32>, vector<16xi32>], vector<16xf32>,
        %gather3A_387 = tpu.vector_load_idx %arg10[%add3A_371, %and3A_25] : memref<1024x16xf32, #tpu.memory_space<vmem>>[vector<16xi32>, vector<16xi32>], vector<16xf32>,
        %sub3A_388 = arith.subf %gather3A_386, %gather3A_387 : vector<16xf32>
        %mul3A_389 = arith.mulf %sub3A_388, %sub3A_388 : vector<16xf32>
        %add3A_390 = arith.addf %add3A_385, %mul3A_389 : vector<16xf32>
        %gather3A_391 = tpu.vector_load_idx %arg9[%add3A_371, %and3A_31] : memref<1024x16xf32, #tpu.memory_space<vmem>>[vector<16xi32>, vector<16xi32>], vector<16xf32>,
        %gather3A_392 = tpu.vector_load_idx %arg10[%add3A_371, %and3A_31] : memref<1024x16xf32, #tpu.memory_space<vmem>>[vector<16xi32>, vector<16xi32>], vector<16xf32>,
        %sub3A_393 = arith.subf %gather3A_391, %gather3A_392 : vector<16xf32>
        %mul3A_394 = arith.mulf %sub3A_393, %sub3A_393 : vector<16xf32>
        %add3A_395 = arith.addf %add3A_390, %mul3A_394 : vector<16xf32>
        %gather3A_396 = tpu.vector_load_idx %arg9[%add3A_371, %and3A_37] : memref<1024x16xf32, #tpu.memory_space<vmem>>[vector<16xi32>, vector<16xi32>], vector<16xf32>,
        %gather3A_397 = tpu.vector_load_idx %arg10[%add3A_371, %and3A_37] : memref<1024x16xf32, #tpu.memory_space<vmem>>[vector<16xi32>, vector<16xi32>], vector<16xf32>,
        %sub3A_398 = arith.subf %gather3A_396, %gather3A_397 : vector<16xf32>
        %mul3A_399 = arith.mulf %sub3A_398, %sub3A_398 : vector<16xf32>
        %add3A_400 = arith.addf %add3A_395, %mul3A_399 : vector<16xf32>
        %gather3A_401 = tpu.vector_load_idx %arg9[%add3A_371, %and3A_43] : memref<1024x16xf32, #tpu.memory_space<vmem>>[vector<16xi32>, vector<16xi32>], vector<16xf32>,
        %gather3A_402 = tpu.vector_load_idx %arg10[%add3A_371, %and3A_43] : memref<1024x16xf32, #tpu.memory_space<vmem>>[vector<16xi32>, vector<16xi32>], vector<16xf32>,
        %sub3A_403 = arith.subf %gather3A_401, %gather3A_402 : vector<16xf32>
        %mul3A_404 = arith.mulf %sub3A_403, %sub3A_403 : vector<16xf32>
        %add3A_405 = arith.addf %add3A_400, %mul3A_404 : vector<16xf32>
        %gather3A_406 = tpu.vector_load_idx %arg9[%add3A_371, %and3A_49] : memref<1024x16xf32, #tpu.memory_space<vmem>>[vector<16xi32>, vector<16xi32>], vector<16xf32>,
        %gather3A_407 = tpu.vector_load_idx %arg10[%add3A_371, %and3A_49] : memref<1024x16xf32, #tpu.memory_space<vmem>>[vector<16xi32>, vector<16xi32>], vector<16xf32>,
        %sub3A_408 = arith.subf %gather3A_406, %gather3A_407 : vector<16xf32>
        %mul3A_409 = arith.mulf %sub3A_408, %sub3A_408 : vector<16xf32>
        %add3A_410 = arith.addf %add3A_405, %mul3A_409 : vector<16xf32>
        %gather3A_411 = tpu.vector_load_idx %arg9[%add3A_371, %and3A_55] : memref<1024x16xf32, #tpu.memory_space<vmem>>[vector<16xi32>, vector<16xi32>], vector<16xf32>,
        %gather3A_412 = tpu.vector_load_idx %arg10[%add3A_371, %and3A_55] : memref<1024x16xf32, #tpu.memory_space<vmem>>[vector<16xi32>, vector<16xi32>], vector<16xf32>,
        %sub3A_413 = arith.subf %gather3A_411, %gather3A_412 : vector<16xf32>
        %mul3A_414 = arith.mulf %sub3A_413, %sub3A_413 : vector<16xf32>
        %add3A_415 = arith.addf %add3A_410, %mul3A_414 : vector<16xf32>
        %gather3A_416 = tpu.vector_load_idx %arg9[%add3A_371, %and3A_61] : memref<1024x16xf32, #tpu.memory_space<vmem>>[vector<16xi32>, vector<16xi32>], vector<16xf32>,
        %gather3A_417 = tpu.vector_load_idx %arg10[%add3A_371, %and3A_61] : memref<1024x16xf32, #tpu.memory_space<vmem>>[vector<16xi32>, vector<16xi32>], vector<16xf32>,
        %sub3A_418 = arith.subf %gather3A_416, %gather3A_417 : vector<16xf32>
        %mul3A_419 = arith.mulf %sub3A_418, %sub3A_418 : vector<16xf32>
        %add3A_420 = arith.addf %add3A_415, %mul3A_419 : vector<16xf32>
        %gather3A_421 = tpu.vector_load_idx %arg9[%add3A_371, %and3A_67] : memref<1024x16xf32, #tpu.memory_space<vmem>>[vector<16xi32>, vector<16xi32>], vector<16xf32>,
        %gather3A_422 = tpu.vector_load_idx %arg10[%add3A_371, %and3A_67] : memref<1024x16xf32, #tpu.memory_space<vmem>>[vector<16xi32>, vector<16xi32>], vector<16xf32>,
        %sub3A_423 = arith.subf %gather3A_421, %gather3A_422 : vector<16xf32>
        %mul3A_424 = arith.mulf %sub3A_423, %sub3A_423 : vector<16xf32>
        %add3A_425 = arith.addf %add3A_420, %mul3A_424 : vector<16xf32>
        %gather3A_426 = tpu.vector_load_idx %arg9[%add3A_371, %and3A_73] : memref<1024x16xf32, #tpu.memory_space<vmem>>[vector<16xi32>, vector<16xi32>], vector<16xf32>,
        %gather3A_427 = tpu.vector_load_idx %arg10[%add3A_371, %and3A_73] : memref<1024x16xf32, #tpu.memory_space<vmem>>[vector<16xi32>, vector<16xi32>], vector<16xf32>,
        %sub3A_428 = arith.subf %gather3A_426, %gather3A_427 : vector<16xf32>
        %mul3A_429 = arith.mulf %sub3A_428, %sub3A_428 : vector<16xf32>
        %add3A_430 = arith.addf %add3A_425, %mul3A_429 : vector<16xf32>
        %gather3A_431 = tpu.vector_load_idx %arg9[%add3A_371, %and3A_79] : memref<1024x16xf32, #tpu.memory_space<vmem>>[vector<16xi32>, vector<16xi32>], vector<16xf32>,
        %gather3A_432 = tpu.vector_load_idx %arg10[%add3A_371, %and3A_79] : memref<1024x16xf32, #tpu.memory_space<vmem>>[vector<16xi32>, vector<16xi32>], vector<16xf32>,
        %sub3A_433 = arith.subf %gather3A_431, %gather3A_432 : vector<16xf32>
        %mul3A_434 = arith.mulf %sub3A_433, %sub3A_433 : vector<16xf32>
        %add3A_435 = arith.addf %add3A_430, %mul3A_434 : vector<16xf32>
        %gather3A_436 = tpu.vector_load_idx %arg9[%add3A_371, %and3A_85] : memref<1024x16xf32, #tpu.memory_space<vmem>>[vector<16xi32>, vector<16xi32>], vector<16xf32>,
        %gather3A_437 = tpu.vector_load_idx %arg10[%add3A_371, %and3A_85] : memref<1024x16xf32, #tpu.memory_space<vmem>>[vector<16xi32>, vector<16xi32>], vector<16xf32>,
        %sub3A_438 = arith.subf %gather3A_436, %gather3A_437 : vector<16xf32>
        %mul3A_439 = arith.mulf %sub3A_438, %sub3A_438 : vector<16xf32>
        %add3A_440 = arith.addf %add3A_435, %mul3A_439 : vector<16xf32>
        %gather3A_441 = tpu.vector_load_idx %arg9[%add3A_371, %and3A_91] : memref<1024x16xf32, #tpu.memory_space<vmem>>[vector<16xi32>, vector<16xi32>], vector<16xf32>,
        %gather3A_442 = tpu.vector_load_idx %arg10[%add3A_371, %and3A_91] : memref<1024x16xf32, #tpu.memory_space<vmem>>[vector<16xi32>, vector<16xi32>], vector<16xf32>,
        %sub3A_443 = arith.subf %gather3A_441, %gather3A_442 : vector<16xf32>
        %mul3A_444 = arith.mulf %sub3A_443, %sub3A_443 : vector<16xf32>
        %add3A_445 = arith.addf %add3A_440, %mul3A_444 : vector<16xf32>
        %gather3A_446 = tpu.vector_load_idx %arg9[%add3A_371, %and3A_97] : memref<1024x16xf32, #tpu.memory_space<vmem>>[vector<16xi32>, vector<16xi32>], vector<16xf32>,
        %gather3A_447 = tpu.vector_load_idx %arg10[%add3A_371, %and3A_97] : memref<1024x16xf32, #tpu.memory_space<vmem>>[vector<16xi32>, vector<16xi32>], vector<16xf32>,
        %sub3A_448 = arith.subf %gather3A_446, %gather3A_447 : vector<16xf32>
        %mul3A_449 = arith.mulf %sub3A_448, %sub3A_448 : vector<16xf32>
        %add3A_450 = arith.addf %add3A_445, %mul3A_449 : vector<16xf32>
        %neg3A = arith.constant 0.000000e+00 : f32
        %neg3A_451 = vector.broadcast %neg3A : f32 to vector<16xf32>
        %neg3A_452 = arith.subf %neg3A_451, %add3A_450 : vector<16xf32>
        %mul3A_453 = arith.constant 16 : i32
        %mul3A_454 = arith.muli %scan3A_367, %mul3A_453 : i32
        %swap3A = arith.index_cast %mul3A_454 : i32 to index
        %swap3A_455 = tpu.vector_load %arg11[%swap3A] {strides = array<i32>} : memref<1024xf32, #tpu.memory_space<vmem>>, vector<16xf32>,
        tpu.vector_store %arg11[%swap3A], %neg3A_452 {strides = array<i32>} : memref<1024xf32, #tpu.memory_space<vmem>>, vector<16xf32>,
      }
      %scan3A_366 = arith.constant 64 : i32
      "tpu.region"() ({
        %run_scoped3A = tpu.sem_alloc : memref<!tpu.dma_semaphore, #tpu.memory_space<semaphore_mem>>
        %dma_start3A_367 = tpu.memref_slice %arg6[%add3A_106] : memref<819200xf32, #tpu.memory_space<hbm>> -> memref<1024xf32, #tpu.memory_space<hbm>>
        %dma_start3A_368 = tpu.memref_slice %arg6[%add3A_106] : memref<819200xf32, #tpu.memory_space<hbm>> -> memref<1024xf32, #tpu.memory_space<hbm>>
        tpu.enqueue_dma source(%arg11 : memref<1024xf32, #tpu.memory_space<vmem>>) target(%dma_start3A_368 : memref<1024xf32, #tpu.memory_space<hbm>>) target_semaphore(%run_scoped3A : memref<!tpu.dma_semaphore, #tpu.memory_space<semaphore_mem>>)
        %dma_wait3A_369 = tpu.memref_slice %arg6[%add3A_106] : memref<819200xf32, #tpu.memory_space<hbm>> -> memref<1024xf32, #tpu.memory_space<hbm>>
        %dma_wait3A_370 = tpu.memref_slice %arg6[%add3A_106] : memref<819200xf32, #tpu.memory_space<hbm>> -> memref<1024xf32, #tpu.memory_space<hbm>>
        tpu.wait_dma2 semaphore(%run_scoped3A : memref<!tpu.dma_semaphore, #tpu.memory_space<semaphore_mem>>) src(%arg11 : memref<1024xf32, #tpu.memory_space<vmem>>) dst(%dma_wait3A_370 : memref<1024xf32, #tpu.memory_space<hbm>>)
        tpu.yield
      }) : () -> ()
    }
    %scan3A_102 = arith.constant 25 : i32
    return
  }
}

</mosaic_0001>

<sc_bundles>
// kernel: kernel.3.cloned.1.call-start
scs
__scs_entry_jumppad:
0x0: {  	(pc) =	sbr.rel $0x88, $3  }
0x1: {  	(tag) =	ssettag $0x0;
	lr =	simm.s32 $0x1  }
0x2: {  	[smem:$0x3F9D] =	sst lr;
	_ =	strace $0xD0000000  }
0x3: {  	_ = 	snop  }
0x4: {  	_ = 	snop  }
0x5: {  	_ = 	snop  }
0x6: {  	_ = 	snop  }
0x7: {  	_ = 	snop  }
__scs_overlays_trampoline_lowered:
0x8: {  	[smem:$0x3FAC] =	sst s0  }
0x9: {  	[smem:$0x3FAD] =	sst s1  }
0xa: {  	[smem:$0x3FAE] =	sst s2  }
0xb: {  	[smem:$0x3FAF] =	sst s3  }
0xc: {  	[smem:$0x3FB0] =	sst s4  }
0xd: {  	[smem:$0x3FB1] =	sst s5  }
0xe: {  	[smem:$0x3FB2] =	sst s6  }
0xf: {  	[smem:$0x3FB3] =	sst s7  }
0x10: {  	[smem:$0x3FB4] =	sst s8  }
0x11: {  	[smem:$0x3FB5] =	sst s9;
	s0 =	simm.s32 @!p0 $0x0  }
0x12: {  	s1 =	sld [smem:$0x3F9B];
	s0 =	simm.s32 @p0 $0x1  }
0x13: {  	[smem:$0x3FB6] =	sst s0;
	s0 =	simm.s32 @!p1 $0x0  }
0x14: {  	s2 =	sld [smem:$0x3F9A];
	s0 =	simm.s32 @p1 $0x1  }
0x15: {  	[smem:$0x3FB7] =	sst s0;
	s0 =	simm.s32 @!p2 $0x0  }
0x16: {  	s3 =	sld [smem:$0x3FDB];
	s0 =	simm.s32 @p2 $0x1  }
0x17: {  	s4 =	simm.s32 $0x1BF5;
	[smem:$0x3FB9] =	sst s0  }
0x18: {  	s0 =	sld [smem:$0x3F9C];
	_ =	swait.ge [sflag:s4], $0x0  }
0x19: {  	s7 =	sld [smem:$0x3F9D]  }
0x1a: {  	s8 =	sadd.s32 $0xFFFFE003, lr  }
0x1b: {  	s9 =	sadd.s32 $0xFFFFFEF7, lr;
	s5 =	simm.s32 $0xFFFFFFFF;
	p2 =	slt.u32 s8, $0xFFFFF086  }
0x1c: {  	p1 =	slt.u32 s9, $0xF7A;
	s5 =	simm.s32 @!p2 $0x0  }
0x1d: {  	s5 =	simm.s32 @p1 $0x1;
	p0 =	seq.s32 s7, s2  }
0x1e: {  	s7 =	smul.u32 @!p0 $0xF7A, s2;
	p2 =	seq.s32 @!p0 s5, $0x0  }
0x1f: {  	s9 =	smul.u32 $0xF7A, s1;
	s8 =	simm.s32 @!p0 $0x1BF5;
	p2 =	por !p2, p0  }
0x20: {  	[sflag:s8] =	ssyncset.s32 @!p0 $0xFFFFF086;
	s6 =	sadd.s32 @!p0 s3, s7;
	s7 =	simm.s32 @!p0 $0x108  }
0x21: {  	s3 =	sadd.s32 s3, s9;
	s6 =	sadd.s32 @!p0 $0x88, s6;
	s7 =	simm.s32 @p2 $0x1082  }
0x22: {  	[simem:s7], [sflag:s8] =	dma.local @!p0 [hbm:s6], $0xF7A  }
0x23: {  	s9 =	sor.u32 $0xD0000000, s2;
	s6 =	simm.s32 $0x108;
	_ =	swait.ge @!p0 [sflag:s8], $0x0  }
0x24: {  	s3 =	sadd.s32 $0x88, s3;
	s6 =	simm.s32 @!p1 $0x1082;
	[sflag:s4] =	ssyncset.s32 $0xFFFFF086  }
0x25: {  	[simem:s6], [sflag:s4] =	dma.local [hbm:s3], $0xF7A  }
0x26: {  	[smem:$0x3F9D] =	sst s1;
	(tag) =	ssettag s2;
	_ =	strace s9  }
0x27: {  	s1 =	sld [smem:$0x3FAD]  }
0x28: {  	s2 =	sld [smem:$0x3FAE]  }
0x29: {  	s4 =	sld [smem:$0x3FB0]  }
0x2a: {  	p0 =	seq.s32 s5, $0x0;
	s5 =	sld [smem:$0x3FB1]  }
0x2b: {  	s6 =	sld [smem:$0x3FB2]  }
0x2c: {  	s7 =	sld [smem:$0x3FB3]  }
0x2d: {  	s3 =	simm.s32 $0x108;
	s8 =	sld [smem:$0x3FB4]  }
0x2e: {  	s3 =	simm.s32 @!p0 $0x1082;
	s9 =	sld [smem:$0x3FB5]  }
0x2f: {  	lr =	sadd.s32 s0, s3;
	s0 =	sld [smem:$0x3FAC]  }
0x30: {  	s3 =	sld [smem:$0x3FAF]  }
0x31: {  	[smem:$0x3FB8] =	sst s10  }
0x32: {  	s10 =	sld [smem:$0x3FB6];
	_ =	sdelay $0x3  }
0x33: {  	p0 =	seq.s32 s10, $0x1;
	s10 =	sld [smem:$0x3FB8];
	_ =	sdelay $0x3  }
0x34: {  	[smem:$0x3FB8] =	sst s10  }
0x35: {  	s10 =	sld [smem:$0x3FB7];
	_ =	sdelay $0x3  }
0x36: {  	p1 =	seq.s32 s10, $0x1;
	s10 =	sld [smem:$0x3FB8];
	_ =	sdelay $0x3  }
0x37: {  	[smem:$0x3FB8] =	sst s10  }
0x38: {  	s10 =	sld [smem:$0x3FB9]  }
0x39: {  	_ = 	snop;
	(pc) =	sbr.ind lr, $3  }
0x3a: {  	_ = 	snop  }
0x3b: {  	_ = 	snop  }
0x3c: {  	p2 =	seq.s32 s10, $0x1;
	s10 =	sld [smem:$0x3FB8]  }
0x3d: {  	_ =	shalt  }
0x3e: {  	_ =	shalt  }
0x3f: {  	_ =	shalt  }
0x40: {  	_ =	shalt  }
0x41: {  	_ =	shalt  }
0x42: {  	_ =	shalt  }
0x43: {  	_ =	shalt  }
0x44: {  	_ =	shalt  }
0x45: {  	_ =	shalt  }
0x46: {  	_ =	shalt  }
0x47: {  	_ =	shalt  }
0x48: {  	_ =	shalt  }
0x49: {  	_ =	shalt  }
0x4a: {  	_ =	shalt  }
0x4b: {  	_ =	shalt  }
0x4c: {  	_ =	shalt  }
0x4d: {  	_ =	shalt  }
0x4e: {  	_ =	shalt  }
0x4f: {  	_ =	shalt  }
0x50: {  	_ =	shalt  }
0x51: {  	_ =	shalt  }
0x52: {  	_ =	shalt  }
0x53: {  	_ =	shalt  }
0x54: {  	_ =	shalt  }
0x55: {  	_ =	shalt  }
0x56: {  	_ =	shalt  }
0x57: {  	_ =	shalt  }
0x58: {  	_ =	shalt  }
0x59: {  	_ =	shalt  }
0x5a: {  	_ =	shalt  }
0x5b: {  	_ =	shalt  }
0x5c: {  	_ =	shalt  }
0x5d: {  	_ =	shalt  }
0x5e: {  	_ =	shalt  }
0x5f: {  	_ =	shalt  }
0x60: {  	_ =	shalt  }
0x61: {  	_ =	shalt  }
0x62: {  	_ =	shalt  }
0x63: {  	_ =	shalt  }
0x64: {  	_ =	shalt  }
0x65: {  	_ =	shalt  }
0x66: {  	_ =	shalt  }
0x67: {  	_ =	shalt  }
0x68: {  	_ =	shalt  }
0x69: {  	_ =	shalt  }
0x6a: {  	_ =	shalt  }
0x6b: {  	_ =	shalt  }
0x6c: {  	_ =	shalt  }
0x6d: {  	_ =	shalt  }
0x6e: {  	_ =	shalt  }
0x6f: {  	_ =	shalt  }
0x70: {  	_ =	shalt  }
0x71: {  	_ =	shalt  }
0x72: {  	_ =	shalt  }
0x73: {  	_ =	shalt  }
0x74: {  	_ =	shalt  }
0x75: {  	_ =	shalt  }
0x76: {  	_ =	shalt  }
0x77: {  	_ =	shalt  }
0x78: {  	_ =	shalt  }
0x79: {  	_ =	shalt  }
0x7a: {  	_ =	shalt  }
0x7b: {  	_ =	shalt  }
0x7c: {  	_ =	shalt  }
0x7d: {  	_ =	shalt  }
0x7e: {  	_ =	shalt  }
0x7f: {  	_ =	shalt  }
0x80: {  	_ =	shalt  }
0x81: {  	_ =	shalt  }
0x82: {  	_ =	shalt  }
0x83: {  	_ =	shalt  }
0x84: {  	_ =	shalt  }
0x85: {  	_ =	shalt  }
0x86: {  	_ =	shalt  }
0x87: {  	_ =	shalt  }
.Lfunc_end0:
.L_simem_size_0:
called_computation_lowered:
.L_overlay_start_0:
0x88: {  	s2 =	sld [smem:$0x3FD9]  }
0x89: {  	s3 =	sld [smem:$0x3FFE];
	_ =	sdelay $0x1  }
0x8a: {  	s1 =	srdreg.scid  }
0x8b: {  	s0 =	sand.u32 $0x1, s1  }
0x8c: {  	s17 =	sshll.u32 s0, $0xA;
	s2 =	sadd.s32 s3, s2  }
0x8d: {  	s2 =	sadd.s32 s2, s17  }
0x8e: {  	[smem:$0x3FC4] =	sst s2  }
0x8f: {  	_ = 	snop  }
0x90: {  	s2 =	sld [smem:$0x3FD0];
	(tm) =	ssettm $0x1  }
0x91: {  	s18 =	sld [smem:$0x3FFB];
	_ =	sdelay $0x3  }
0x92: {  	_ =	strace s18  }
0x93: {  	s3 =	sld [smem:$0x3FFC];
	_ =	sdelay $0x3  }
0x94: {  	_ =	strace s3  }
0x95: {  	s3 =	sld [smem:$0x3FFD];
	_ =	sdelay $0x3  }
0x96: {  	_ =	strace s3  }
0x97: {  	_ =	strace $0x8FFFFFFF  }
0x98: {  	s19 =	sld [smem:$0x3FDB];
	_ =	sdelay $0x1  }
0x99: {  	s4 =	simm.s32 $_scs_section_size  }
0x9a: {  	s5 =	simm.s32 $_size__tile_overlayer_lowered;
	s6 =	simm.s32 $_tile_overlayer_lowered  }
0x9b: {  	s22 =	simm.s32 $0x1BFF;
	s21 =	sshll.u32 s6, $0x1;
	s3 =	sadd.s32 s4, s19  }
0x9c: {  	s7 =	simm.s32 $0x0;
	s20 =	sshll.u32 s5, $0x1;
	s5 =	sadd.s32 s21, s3  }
0x9d: {  	[timem:s7], [sflag:s22] =	dma.local [hbm:s5], s20  }
0x9e: {  	_ =	swait.ge [sflag:s22], s20  }
0x9f: {  	s4 =	ssub.s32 $0x0, s20;
	[sflag:s22] =	ssyncset.done $0x0  }
0xa0: {  	[sflag:s22] =	ssyncadd.s32 s4;
	_ =	sdelay $0x1  }
0xa1: {  	s23 =	simm.s32 $0x1B8B  }
0xa2: {  	_ =	swait.ge [sflag:s23], $0x1  }
0xa3: {  	[sflag:s23] =	ssyncset.done $0x0  }
0xa4: {  	s25 =	simm.s32 $0x1B8E;
	s24 =	sld [smem:$0x3FFE];
	[sflag:s23] =	ssyncadd.s32 $0xFFFFFFFF  }
0xa5: {  	s26 =	simm.s32 $execute0_lowered;
	[smem:$0x3FD2] =	sst s25  }
0xa6: {  	s5 =	sshll.u32 s26, $0x1;
	_ =	strace $0x80000046;
	[dreg:$0x1] =	wrdreg $0xFFFFFFFF  }
0xa7: {  	s28 =	simm.s32 $_size_execute0_lowered;
	s3 =	sadd.s32 s3, s5;
	[dreg:$0x0] =	wrdreg $0x0  }
0xa8: {  	s5 =	sshll.u32 s28, $0x1;
	[dreg:$0x2] =	wrdreg s3  }
0xa9: {  	[dreg:$0x3] =	wrdreg s5  }
0xaa: {  	[dreg:$0x4] =	wrdreg $0xC0  }
0xab: {  	_ =	task [dreg:s7], $0x5FFFF  }
0xac: {  	[dreg:$0x1] =	wrdreg $0xFFFFFFFF  }
0xad: {  	[dreg:$0x0] =	wrdreg $0x60  }
0xae: {  	[dreg:$0x2] =	wrdreg s2  }
0xaf: {  	[dreg:$0x3] =	wrdreg s24  }
0xb0: {  	[dreg:$0x4] =	wrdreg $0x9  }
0xb1: {  	_ =	task.clear_ibuf [dreg:s7], $0x5FFFF;
	_ =	strace $0x90000046  }
0xb2: {  	s29 =	simm.s32 $0x9;
	_ =	strace $0x80000048  }
0xb3: {  	_ =	swait.ge [sflag:s29], $0x1  }
0xb4: {  	[sflag:s29] =	ssyncadd.s32 $0xFFFFFFFF  }
0xb5: {  	_ =	strace $0x90000048  }
0xb6: {  	_ =	sfence  }
0xb7: {  	s30 =	sld [smem:$0x0];
	_ =	sdelay $0x2  }
0xb8: {  	s31 =	sshll.u32 s1, $0xD;
	s1 =	sshrl.u32 s1, $0x2  }
0xb9: {  	s3 =	sand.u32 $0x4000, s31;
	s1 =	sadd.s32 s1, s30  }
0xba: {  	s0 =	sor.u32 s3, s0;
	s1 =	sshll.u32 s1, $0x11  }
0xbb: {  	s0 =	sor.u32 s1, s0  }
0xbc: {  	s0 =	sadd.s32 $0x8F2B, s0  }
0xbd: {  	[sflag:s0] =	ssyncadd.remote.s32 $0x1  }
0xbe: {  	_ =	sfence.sel $0xFFFF  }
0xbf: {  	[dreg:$0x0] =	wrdreg $0xFFFFFFFF;
	(pc) =	sbr.abs _section_cstart, $3  }
0xc0: {  	[dreg:$0x1] =	wrdreg $0xFFFFFFFF  }
0xc1: {  	_ =	task.clear_ibuf [dreg:s7], $0x2FFFF;
	_ =	strace $0x9FFFFFFF  }
0xc2: {  	(tm) =	ssettm $0x7FFFFFFF  }
0xc3: {  	_ =	shalt  }
tec
execute0_lowered:
.L_overlay_start_1:
0x0: {  	(tag) =	ssettag $0x1  }
0x1: {  	v1 =	vimm.s32 $0xFEDCBA9;
	v0 =	vlaneseq.u32  }
0x2: {  	v3 =	vimm.s32 $0x87654321;
	v4 =	vimm.s32 $0x98765432;
	v5 =	vimm.s32 $0x210FEDCB  }
0x3: {  	v6 =	vimm.s32 $0xA9876543;
	v16 =	vimm.s32 $0xCBA98765;
	v18 =	vimm.s32 $0x6543210F  }
0x4: {  	v19 =	vimm.s32 $0xEDCBA987;
	v20 =	vimm.s32 $0xFEDCBA98;
	v21 =	vimm.s32 $0x76543210  }
0x5: {  	v2 =	vunpack.c.l.s4.s8 v1;
	v1 =	vmul.u32 $0x10, v0;
	v4 =	vunpack.c.l.s4.s8 v4  }
0x6: {  	v5 =	vunpack.c.l.s4.s8 v5;
	v18 =	vunpack.c.l.s4.s8 v18;
	v19 =	vunpack.c.l.s4.s8 v19  }
0x7: {  	v20 =	vunpack.c.l.s4.s8 v20;
	v8 =	vunpack.c.0.s8.s32 v2;
	v2 =	vunpack.c.l.s4.s8 v3  }
0x8: {  	v3 =	vimm.s32 $0x10FEDCBA;
	v11 =	vunpack.c.0.s8.s32 v4;
	v12 =	vunpack.c.0.s8.s32 v5  }
0x9: {  	v18 =	vunpack.c.0.s8.s32 v18;
	v19 =	vunpack.c.0.s8.s32 v19;
	v3 =	vunpack.c.l.s4.s8 v3  }
0xa: {  	v20 =	vunpack.c.0.s8.s32 v20;
	v9 =	vunpack.c.0.s8.s32 v2;
	v2 =	vunpack.c.l.s4.s8 v6  }
0xb: {  	v24 =	vcombine.low v19, v18;
	v10 =	vunpack.c.0.s8.s32 v3;
	v3 =	vimm.s32 $0x3210FEDC  }
0xc: {  	v20 =	vand.u32 $0xF, v20;
	v13 =	vunpack.c.0.s8.s32 v2;
	v2 =	vunpack.c.l.s4.s8 v3  }
0xd: {  	v3 =	vimm.s32 $0xBA987654;
	v4 =	vcombine.low v9, v8;
	v63 =	vcombine.low v8, v9  }
0xe: {  	s0 =	rddreg [dreg:$0x1];
	s1 =	simm.s32 $0x0;
	v9 =	vand.u32 $0xF, v24;
	v5 =	vcombine.low v11, v10;
	v3 =	vunpack.c.l.s4.s8 v3  }
0xf: {  	s28 =	srdreg.scid;
	s6 =	stileid.u32;
	s10 =	simm.s32 $0x3;
	v11 =	vcombine.low v10, v11;
	v6 =	vcombine.low v13, v12;
	v14 =	vunpack.c.0.s8.s32 v2  }
0x10: {  	s11 =	simm.s32 $0x400;
	s12 =	simm.s32 $0x80;
	s13 =	simm.s32 $0x800;
	v2 =	vimm.s32 $0x43210FED;
	v12 =	vcombine.low v12, v13;
	v15 =	vunpack.c.0.s8.s32 v3  }
0x11: {  	s14 =	simm.s32 $0x4800;
	s30 =	simm.s32 $0x6800;
	s31 =	simm.s32 $0x280;
	v7 =	vunpack.c.l.s4.s8 v2;
	v3 =	vand.u32 $0xF, v5;
	v5 =	vunpack.c.l.s4.s8 v16  }
0x12: {  	s9 =	simm.s32 $0x7000;
	s15 =	simm.s32 $0x700;
	s16 =	simm.s32 $0x7800;
	v10 =	vand.u32 $0xF, v63;
	v2 =	vand.u32 $0xF, v4;
	v11 =	vand.u32 $0xF, v11  }
0x13: {  	s17 =	simm.s32 $0x380;
	s18 =	simm.s32 $0x4000;
	s19 =	simm.s32 $0x780;
	v4 =	vand.u32 $0xF, v6;
	v16 =	vunpack.c.0.s8.s32 v7;
	v17 =	vunpack.c.0.s8.s32 v5  }
0x14: {  	s20 =	simm.s32 $0x8000;
	s21 =	simm.s32 $0x1;
	s22 =	simm.s32 $0x2;
	v5 =	vimm.s32 $0x543210FE;
	v7 =	vimm.s32 $0xDCBA9876;
	v13 =	vcombine.low v14, v15  }
0x15: {  	s23 =	simm.s32 $0x8800;
	s25 =	simm.s32 $0x0;
	[smem:$0x7FF] =	sst s1;
	v12 =	vand.u32 $0xF, v12;
	v5 =	vunpack.c.l.s4.s8 v5;
	v7 =	vunpack.c.l.s4.s8 v7  }
0x16: {  	s1 =	sand.u32 $0x1, s28;
	s4 =	sadd.s32 $0x800, s0;
	s5 =	sadd.s32 $0x112B200, s0;
	v6 =	vcombine.low v15, v14;
	v14 =	vcombine.low v16, v17;
	v13 =	vand.u32 $0xF, v13  }
0x17: {  	s7 =	sshll.u32 s6, $0x1;
	s6 =	sadd.s32 $0xF42C00, s0;
	s2 =	ssub.s32 $0x2, s1;
	v22 =	vunpack.c.0.s8.s32 v5;
	v23 =	vunpack.c.0.s8.s32 v7;
	v7 =	vunpack.c.l.s4.s8 v21  }
0x18: {  	_ =	strace $0x80000047;
	s1 =	sor.u32 s1, s7;
	s3 =	sshrl.u32 s2, $0x1;
	v5 =	vand.u32 $0xF, v6;
	v6 =	vcombine.low v17, v16;
	v16 =	vcombine.low v18, v19  }
0x19: {  	s7 =	sadd.s32 $0x19800, s0;
	s0 =	simm.s32 $0x300;
	s2 =	ssub.s32 s2, s3;
	v7 =	vunpack.c.0.s8.s32 v7;
	v62 =	vcombine.low v23, v22;
	v15 =	vcombine.low v22, v23  }
0x1a: {  	s8 =	smul.u32 $0x6400, s1;
	s1 =	simm.s32 $0x3000;
	s29 =	smax.u32 s2, $0x1;
	v14 =	vand.u32 $0xF, v14;
	v6 =	vand.u32 $0xF, v6;
	v16 =	vand.u32 $0xF, v16  }
0x1b: {  	s3 =	simm.s32 $0x680;
	s2 =	simm.s32 $0x3800;
	[dreg:$0x3] =	wrdreg s29;
	v7 =	vcombine.low v20, v7;
	v8 =	vand.u32 $0xF, v62;
	v15 =	vand.u32 $0xF, v15  }
.LBB2_1:
0x1c: {  	[dreg:$0x4] =	wrdreg s25;
	s24 =	simm.s32 $0x0  }
.LBB2_2:
0x1d: {  	s25 =	sshll.u32 s24, $0xA  }
0x1e: {  	s25 =	sadd.s32 s8, s25  }
0x1f: {  	s26 =	rddreg [dreg:$0x0];
	s25 =	sshrl.u32 s25, $0x3  }
0x20: {  	s28 =	sadd.s32 s26, s25;
	s26 =	simm.s32 $0x0  }
0x21: {  	[tilespmem:s26], [sflag:$0x3] =	stream.linear.gather [hbm4b:s28+s26], $0x400, $0x38;
	[tilespmem:$0x8C00] =	vst v63  }
0x22: {  	_ =	swait.ge [sflag:s10], $0x400  }
0x23: {  	[sflag:s10] =	ssyncset.done $0x0  }
0x24: {  	s28 =	sadd.s32 s4, s25;
	[sflag:s10] =	ssyncadd.s32 $0xFFFFFC00  }
0x25: {  	[tilespmem:s11], [sflag:$0x3] =	stream.linear.gather [hbm4b:s28+s26], $0x400, $0x38;
	[tilespmem:$0x8C00] =	vst v63  }
0x26: {  	_ =	swait.ge [sflag:s10], $0x400  }
0x27: {  	[sflag:s10] =	ssyncset.done $0x0  }
0x28: {  	[sflag:s10] =	ssyncadd.s32 $0xFFFFFC00  }
0x29: {  	[tilespmem:s13], [sflag:$0x1] =	stream.indirect.gather [hbm4b:s5+s12], $0x10, s26, s12, $0xb8;
	[tilespmem:$0x8C00] =	vst v63  }
0x2a: {  	_ = 	snop  }
0x2b: {  	[tilespmem:s14], [sflag:$0x2] =	stream.indirect.gather [hbm4b:s6+s12], $0x10, s11, s12, $0xb8;
	[tilespmem:$0x8C00] =	vst v63  }
0x2c: {  	s28 =	simm.s32 $0x1000  }
0x2d: {  	[tilespmem:s28], [sflag:$0x1] =	stream.indirect.gather [hbm4b:s5+s12], $0x10, s12, s12, $0xb8;
	[tilespmem:$0x8C00] =	vst v63  }
0x2e: {  	s29 =	simm.s32 $0x5000;
	s28 =	simm.s32 $0x480  }
0x2f: {  	[tilespmem:s29], [sflag:$0x2] =	stream.indirect.gather [hbm4b:s6+s12], $0x10, s28, s12, $0xb8;
	[tilespmem:$0x8C00] =	vst v63  }
0x30: {  	s28 =	simm.s32 $0x100;
	s29 =	simm.s32 $0x1800  }
0x31: {  	[tilespmem:s29], [sflag:$0x1] =	stream.indirect.gather [hbm4b:s5+s12], $0x10, s28, s12, $0xb8;
	[tilespmem:$0x8C00] =	vst v63  }
0x32: {  	s28 =	simm.s32 $0x500;
	s29 =	simm.s32 $0x5800  }
0x33: {  	[tilespmem:s29], [sflag:$0x2] =	stream.indirect.gather [hbm4b:s6+s12], $0x10, s28, s12, $0xb8;
	[tilespmem:$0x8C00] =	vst v63  }
0x34: {  	s28 =	simm.s32 $0x180;
	s29 =	simm.s32 $0x2000  }
0x35: {  	[tilespmem:s29], [sflag:$0x1] =	stream.indirect.gather [hbm4b:s5+s12], $0x10, s28, s12, $0xb8;
	[tilespmem:$0x8C00] =	vst v63  }
0x36: {  	s28 =	simm.s32 $0x580;
	s29 =	simm.s32 $0x6000  }
0x37: {  	[tilespmem:s29], [sflag:$0x2] =	stream.indirect.gather [hbm4b:s6+s12], $0x10, s28, s12, $0xb8;
	[tilespmem:$0x8C00] =	vst v63  }
0x38: {  	s28 =	simm.s32 $0x200;
	s29 =	simm.s32 $0x2800  }
0x39: {  	[tilespmem:s29], [sflag:$0x1] =	stream.indirect.gather [hbm4b:s5+s12], $0x10, s28, s12, $0xb8;
	[tilespmem:$0x8C00] =	vst v63  }
0x3a: {  	s28 =	simm.s32 $0x600  }
0x3b: {  	[tilespmem:s30], [sflag:$0x2] =	stream.indirect.gather [hbm4b:s6+s12], $0x10, s28, s12, $0xb8;
	[tilespmem:$0x8C00] =	vst v63  }
0x3c: {  	_ = 	snop  }
0x3d: {  	[tilespmem:s1], [sflag:$0x1] =	stream.indirect.gather [hbm4b:s5+s12], $0x10, s31, s12, $0xb8;
	[tilespmem:$0x8C00] =	vst v63  }
0x3e: {  	_ = 	snop  }
0x3f: {  	[tilespmem:s9], [sflag:$0x2] =	stream.indirect.gather [hbm4b:s6+s12], $0x10, s3, s12, $0xb8;
	[tilespmem:$0x8C00] =	vst v63  }
0x40: {  	_ = 	snop  }
0x41: {  	[tilespmem:s2], [sflag:$0x1] =	stream.indirect.gather [hbm4b:s5+s12], $0x10, s0, s12, $0xb8;
	[tilespmem:$0x8C00] =	vst v63  }
0x42: {  	_ = 	snop  }
0x43: {  	[tilespmem:s16], [sflag:$0x2] =	stream.indirect.gather [hbm4b:s6+s12], $0x10, s15, s12, $0xb8;
	[tilespmem:$0x8C00] =	vst v63  }
0x44: {  	_ = 	snop  }
0x45: {  	[tilespmem:s18], [sflag:$0x1] =	stream.indirect.gather [hbm4b:s5+s12], $0x10, s17, s12, $0xb8;
	[tilespmem:$0x8C00] =	vst v63  }
0x46: {  	_ = 	snop  }
0x47: {  	[tilespmem:s20], [sflag:$0x2] =	stream.indirect.gather [hbm4b:s6+s12], $0x10, s19, s12, $0xb8;
	[tilespmem:$0x8C00] =	vst v63  }
0x48: {  	_ =	swait.ge [sflag:s21], $0x800  }
0x49: {  	[sflag:s21] =	ssyncset.done $0x0  }
0x4a: {  	[sflag:s21] =	ssyncadd.s32 $0xFFFFF800  }
0x4b: {  	_ =	swait.ge [sflag:s22], $0x800  }
0x4c: {  	[sflag:s22] =	ssyncset.done $0x0  }
0x4d: {  	[sflag:s22] =	ssyncadd.s32 $0xFFFFF800  }
0x4e: {  	_ =	swait.ge [sflag:s21], $0x800  }
0x4f: {  	[sflag:s21] =	ssyncset.done $0x0  }
0x50: {  	[sflag:s21] =	ssyncadd.s32 $0xFFFFF800  }
0x51: {  	_ =	swait.ge [sflag:s22], $0x800  }
0x52: {  	[sflag:s22] =	ssyncset.done $0x0  }
0x53: {  	[sflag:s22] =	ssyncadd.s32 $0xFFFFF800  }
0x54: {  	_ =	swait.ge [sflag:s21], $0x800  }
0x55: {  	[sflag:s21] =	ssyncset.done $0x0  }
0x56: {  	[sflag:s21] =	ssyncadd.s32 $0xFFFFF800  }
0x57: {  	_ =	swait.ge [sflag:s22], $0x800  }
0x58: {  	[sflag:s22] =	ssyncset.done $0x0  }
0x59: {  	[sflag:s22] =	ssyncadd.s32 $0xFFFFF800  }
0x5a: {  	_ =	swait.ge [sflag:s21], $0x800  }
0x5b: {  	[sflag:s21] =	ssyncset.done $0x0  }
0x5c: {  	[sflag:s21] =	ssyncadd.s32 $0xFFFFF800  }
0x5d: {  	_ =	swait.ge [sflag:s22], $0x800  }
0x5e: {  	[sflag:s22] =	ssyncset.done $0x0  }
0x5f: {  	[sflag:s22] =	ssyncadd.s32 $0xFFFFF800  }
0x60: {  	_ =	swait.ge [sflag:s21], $0x800  }
0x61: {  	[sflag:s21] =	ssyncset.done $0x0  }
0x62: {  	[sflag:s21] =	ssyncadd.s32 $0xFFFFF800  }
0x63: {  	_ =	swait.ge [sflag:s22], $0x800  }
0x64: {  	[sflag:s22] =	ssyncset.done $0x0  }
0x65: {  	[sflag:s22] =	ssyncadd.s32 $0xFFFFF800  }
0x66: {  	_ =	swait.ge [sflag:s21], $0x800  }
0x67: {  	[sflag:s21] =	ssyncset.done $0x0  }
0x68: {  	[sflag:s21] =	ssyncadd.s32 $0xFFFFF800  }
0x69: {  	_ =	swait.ge [sflag:s22], $0x800  }
0x6a: {  	[sflag:s22] =	ssyncset.done $0x0  }
0x6b: {  	[sflag:s22] =	ssyncadd.s32 $0xFFFFF800  }
0x6c: {  	_ =	swait.ge [sflag:s21], $0x800  }
0x6d: {  	[sflag:s21] =	ssyncset.done $0x0  }
0x6e: {  	[sflag:s21] =	ssyncadd.s32 $0xFFFFF800  }
0x6f: {  	_ =	swait.ge [sflag:s22], $0x800  }
0x70: {  	v17 =	vmov s26;
	[sflag:s22] =	ssyncset.done $0x0  }
0x71: {  	v17 =	vshll.u32 v17, $0x4;
	[sflag:s22] =	ssyncadd.s32 $0xFFFFF800  }
0x72: {  	v17 =	vor.u32 v1, v17;
	_ =	swait.ge [sflag:s21], $0x800  }
0x73: {  	v18 =	vor.u32 v0, v17;
	[sflag:s21] =	ssyncset.done $0x0  }
0x74: {  	[sflag:s21] =	ssyncadd.s32 $0xFFFFF800  }
0x75: {  	v19 =	vor.u32 v2, v17;
	_ =	swait.ge [sflag:s22], $0x800  }
0x76: {  	[sflag:s22] =	ssyncset.done $0x0  }
0x77: {  	v20 =	vor.u32 v3, v17;
	[sflag:s22] =	ssyncadd.s32 $0xFFFFF800  }
0x78: {  	v21 =	vld.idx.msk [tilespmem:v18+s14+$0x0], $0xffff  }
0x79: {  	v22 =	vor.u32 v4, v17;
	v18 =	vld.idx.msk [tilespmem:v18+s13+$0x0], $0xffff  }
0x7a: {  	v23 =	vld.idx.msk [tilespmem:v19+s13+$0x0], $0xffff  }
0x7b: {  	v24 =	vor.u32 v5, v17;
	v19 =	vld.idx.msk [tilespmem:v19+s14+$0x0], $0xffff  }
0x7c: {  	v25 =	vld.idx.msk [tilespmem:v20+s13+$0x0], $0xffff  }
0x7d: {  	v26 =	vor.u32 v6, v17;
	v20 =	vld.idx.msk [tilespmem:v20+s14+$0x0], $0xffff  }
0x7e: {  	v27 =	vld.idx.msk [tilespmem:v22+s13+$0x0], $0xffff  }
0x7f: {  	v28 =	vor.u32 v8, v17;
	v22 =	vld.idx.msk [tilespmem:v22+s14+$0x0], $0xffff  }
0x80: {  	v29 =	vld.idx.msk [tilespmem:v24+s13+$0x0], $0xffff;
	v18 =	vsub.f32 v18, v21;
	v19 =	vsub.f32 v23, v19  }
0x81: {  	v43 =	vor.u32 v9, v17;
	v42 =	vld.idx.msk [tilespmem:v24+s14+$0x0], $0xffff  }
0x82: {  	v44 =	vld.idx.msk [tilespmem:v26+s13+$0x0], $0xffff;
	v20 =	vsub.f32 v25, v20;
	v18 =	vmul.f32 v18, v18;
	v19 =	vmul.f32 v19, v19  }
0x83: {  	v45 =	vor.u32 v7, v17;
	v26 =	vld.idx.msk [tilespmem:v26+s14+$0x0], $0xffff  }
0x84: {  	v30 =	vld.idx.msk [tilespmem:v28+s13+$0x0], $0xffff;
	v18 =	vadd.f32 v19, v18;
	v19 =	vmul.f32 v20, v20;
	v20 =	vsub.f32 v27, v22  }
0x85: {  	v46 =	vor.u32 v10, v17;
	v47 =	vld.idx.msk [tilespmem:v28+s14+$0x0], $0xffff  }
0x86: {  	v48 =	vld.idx.msk [tilespmem:v43+s13+$0x0], $0xffff;
	v18 =	vadd.f32 v19, v18;
	v19 =	vmul.f32 v20, v20;
	v20 =	vsub.f32 v29, v42  }
0x87: {  	v49 =	vor.u32 v11, v17;
	v23 =	vld.idx.msk [tilespmem:v43+s14+$0x0], $0xffff  }
0x88: {  	v50 =	vld.idx.msk [tilespmem:v45+s13+$0x0], $0xffff;
	v18 =	vadd.f32 v19, v18;
	v19 =	vmul.f32 v20, v20;
	v20 =	vsub.f32 v44, v26  }
0x89: {  	v51 =	vor.u32 v12, v17;
	v25 =	vld.idx.msk [tilespmem:v45+s14+$0x0], $0xffff  }
0x8a: {  	v52 =	vld.idx.msk [tilespmem:v46+s13+$0x0], $0xffff;
	v18 =	vadd.f32 v19, v18;
	v19 =	vmul.f32 v20, v20;
	v20 =	vsub.f32 v30, v47  }
0x8b: {  	v53 =	vor.u32 v13, v17;
	v22 =	vld.idx.msk [tilespmem:v46+s14+$0x0], $0xffff  }
0x8c: {  	v54 =	vld.idx.msk [tilespmem:v49+s13+$0x0], $0xffff;
	v18 =	vadd.f32 v19, v18;
	v19 =	vmul.f32 v20, v20;
	v20 =	vsub.f32 v48, v23  }
0x8d: {  	v55 =	vor.u32 v14, v17;
	v21 =	vld.idx.msk [tilespmem:v49+s14+$0x0], $0xffff  }
0x8e: {  	v56 =	vld.idx.msk [tilespmem:v51+s13+$0x0], $0xffff;
	v18 =	vadd.f32 v19, v18;
	v19 =	vmul.f32 v20, v20;
	v20 =	vsub.f32 v50, v25  }
0x8f: {  	v57 =	vor.u32 v15, v17;
	v24 =	vld.idx.msk [tilespmem:v51+s14+$0x0], $0xffff  }
0x90: {  	v58 =	vld.idx.msk [tilespmem:v53+s13+$0x0], $0xffff;
	v18 =	vadd.f32 v19, v18;
	v19 =	vmul.f32 v20, v20;
	v20 =	vsub.f32 v52, v22  }
0x91: {  	v17 =	vor.u32 v16, v17;
	v59 =	vld.idx.msk [tilespmem:v53+s14+$0x0], $0xffff  }
0x92: {  	v60 =	vld.idx.msk [tilespmem:v55+s13+$0x0], $0xffff;
	v18 =	vadd.f32 v19, v18;
	v19 =	vmul.f32 v20, v20;
	v20 =	vsub.f32 v54, v21  }
0x93: {  	v61 =	vld.idx.msk [tilespmem:v55+s14+$0x0], $0xffff  }
0x94: {  	v62 =	vld.idx.msk [tilespmem:v57+s13+$0x0], $0xffff;
	v18 =	vadd.f32 v19, v18;
	v19 =	vmul.f32 v20, v20;
	v20 =	vsub.f32 v56, v24  }
0x95: {  	v63 =	vld.idx.msk [tilespmem:v57+s14+$0x0], $0xffff  }
0x96: {  	v28 =	vld.idx.msk [tilespmem:v17+s13+$0x0], $0xffff;
	v18 =	vadd.f32 v19, v18;
	v19 =	vmul.f32 v20, v20;
	v20 =	vsub.f32 v58, v59  }
0x97: {  	v17 =	vld.idx.msk [tilespmem:v17+s14+$0x0], $0xffff  }
0x98: {  	v18 =	vadd.f32 v19, v18;
	v19 =	vmul.f32 v20, v20;
	v20 =	vsub.f32 v60, v61;
	_ =	sdelay $0x1  }
0x99: {  	v18 =	vadd.f32 v19, v18;
	v19 =	vmul.f32 v20, v20;
	v20 =	vsub.f32 v62, v63;
	_ =	sdelay $0x1  }
0x9a: {  	s29 =	simm.s32 $0x10;
	v17 =	vsub.f32 v28, v17;
	v18 =	vadd.f32 v19, v18;
	v19 =	vmul.f32 v20, v20  }
0x9b: {  	v20 =	vmov s29  }
0x9c: {  	v17 =	vmul.f32 v17, v17;
	v20 =	vshll.u32 v20, $0x4;
	v18 =	vadd.f32 v19, v18  }
0x9d: {  	v19 =	vor.u32 v1, v20  }
0x9e: {  	v20 =	vor.u32 v0, v19;
	v17 =	vadd.f32 v17, v18;
	_ =	sdelay $0x1  }
0x9f: {  	v18 =	vor.u32 v2, v19;
	v17 =	vsub.f32 $0.0e+00, v17  }
0xa0: {  	s26 =	simm.s32 $0x8800  }
0xa1: {  	v30 =	vor.u32 v3, v19;
	[tilespmem:s26+$0x0] =	vst v17  }
0xa2: {  	v17 =	vld.idx.msk [tilespmem:v20+s14+$0x0], $0xffff  }
0xa3: {  	v31 =	vor.u32 v4, v19;
	v20 =	vld.idx.msk [tilespmem:v20+s13+$0x0], $0xffff  }
0xa4: {  	v32 =	vld.idx.msk [tilespmem:v18+s13+$0x0], $0xffff  }
0xa5: {  	v33 =	vor.u32 v5, v19;
	v18 =	vld.idx.msk [tilespmem:v18+s14+$0x0], $0xffff  }
0xa6: {  	v34 =	vld.idx.msk [tilespmem:v30+s13+$0x0], $0xffff  }
0xa7: {  	v35 =	vor.u32 v6, v19;
	v21 =	vld.idx.msk [tilespmem:v30+s14+$0x0], $0xffff  }
0xa8: {  	v36 =	vld.idx.msk [tilespmem:v31+s13+$0x0], $0xffff  }
0xa9: {  	v37 =	vor.u32 v8, v19;
	v22 =	vld.idx.msk [tilespmem:v31+s14+$0x0], $0xffff  }
0xaa: {  	v38 =	vld.idx.msk [tilespmem:v33+s13+$0x0], $0xffff;
	v17 =	vsub.f32 v20, v17;
	v18 =	vsub.f32 v32, v18  }
0xab: {  	v39 =	vor.u32 v9, v19;
	v20 =	vld.idx.msk [tilespmem:v33+s14+$0x0], $0xffff  }
0xac: {  	v40 =	vld.idx.msk [tilespmem:v35+s13+$0x0], $0xffff;
	v21 =	vsub.f32 v34, v21;
	v17 =	vmul.f32 v17, v17;
	v18 =	vmul.f32 v18, v18  }
0xad: {  	v41 =	vor.u32 v7, v19;
	v26 =	vld.idx.msk [tilespmem:v35+s14+$0x0], $0xffff  }
0xae: {  	v42 =	vld.idx.msk [tilespmem:v37+s13+$0x0], $0xffff;
	v43 =	vsub.f32 v36, v22;
	v17 =	vadd.f32 v18, v17;
	v18 =	vmul.f32 v21, v21  }
0xaf: {  	v44 =	vor.u32 v10, v19;
	v45 =	vld.idx.msk [tilespmem:v37+s14+$0x0], $0xffff  }
0xb0: {  	v46 =	vld.idx.msk [tilespmem:v39+s13+$0x0], $0xffff;
	v20 =	vsub.f32 v38, v20;
	v17 =	vadd.f32 v18, v17;
	v18 =	vmul.f32 v43, v43  }
0xb1: {  	v47 =	vor.u32 v11, v19;
	v23 =	vld.idx.msk [tilespmem:v39+s14+$0x0], $0xffff  }
0xb2: {  	v48 =	vld.idx.msk [tilespmem:v41+s13+$0x0], $0xffff;
	v17 =	vadd.f32 v18, v17;
	v18 =	vmul.f32 v20, v20;
	v20 =	vsub.f32 v40, v26  }
0xb3: {  	v49 =	vor.u32 v12, v19;
	v25 =	vld.idx.msk [tilespmem:v41+s14+$0x0], $0xffff  }
0xb4: {  	v50 =	vld.idx.msk [tilespmem:v44+s13+$0x0], $0xffff;
	v17 =	vadd.f32 v18, v17;
	v18 =	vmul.f32 v20, v20;
	v20 =	vsub.f32 v42, v45  }
0xb5: {  	v51 =	vor.u32 v13, v19;
	v22 =	vld.idx.msk [tilespmem:v44+s14+$0x0], $0xffff  }
0xb6: {  	v52 =	vld.idx.msk [tilespmem:v47+s13+$0x0], $0xffff;
	v17 =	vadd.f32 v18, v17;
	v18 =	vmul.f32 v20, v20;
	v20 =	vsub.f32 v46, v23  }
0xb7: {  	v53 =	vor.u32 v14, v19;
	v21 =	vld.idx.msk [tilespmem:v47+s14+$0x0], $0xffff  }
0xb8: {  	v54 =	vld.idx.msk [tilespmem:v49+s13+$0x0], $0xffff;
	v17 =	vadd.f32 v18, v17;
	v18 =	vmul.f32 v20, v20;
	v20 =	vsub.f32 v48, v25  }
0xb9: {  	v55 =	vor.u32 v15, v19;
	v24 =	vld.idx.msk [tilespmem:v49+s14+$0x0], $0xffff  }
0xba: {  	v56 =	vld.idx.msk [tilespmem:v51+s13+$0x0], $0xffff;
	v17 =	vadd.f32 v18, v17;
	v18 =	vmul.f32 v20, v20;
	v20 =	vsub.f32 v50, v22  }
0xbb: {  	v19 =	vor.u32 v16, v19;
	v57 =	vld.idx.msk [tilespmem:v51+s14+$0x0], $0xffff  }
0xbc: {  	v58 =	vld.idx.msk [tilespmem:v53+s13+$0x0], $0xffff;
	v17 =	vadd.f32 v18, v17;
	v18 =	vmul.f32 v20, v20;
	v20 =	vsub.f32 v52, v21  }
0xbd: {  	v59 =	vld.idx.msk [tilespmem:v53+s14+$0x0], $0xffff  }
0xbe: {  	v60 =	vld.idx.msk [tilespmem:v55+s13+$0x0], $0xffff;
	v17 =	vadd.f32 v18, v17;
	v18 =	vmul.f32 v20, v20;
	v20 =	vsub.f32 v54, v24  }
0xbf: {  	v61 =	vld.idx.msk [tilespmem:v55+s14+$0x0], $0xffff  }
0xc0: {  	v62 =	vld.idx.msk [tilespmem:v19+s13+$0x0], $0xffff;
	v17 =	vadd.f32 v18, v17;
	v18 =	vmul.f32 v20, v20;
	v20 =	vsub.f32 v56, v57  }
0xc1: {  	v19 =	vld.idx.msk [tilespmem:v19+s14+$0x0], $0xffff  }
0xc2: {  	v17 =	vadd.f32 v18, v17;
	v18 =	vmul.f32 v20, v20;
	v20 =	vsub.f32 v58, v59;
	_ =	sdelay $0x1  }
0xc3: {  	v17 =	vadd.f32 v18, v17;
	v18 =	vmul.f32 v20, v20;
	v20 =	vsub.f32 v60, v61;
	_ =	sdelay $0x1  }
0xc4: {  	s28 =	simm.s32 $0x20;
	v19 =	vsub.f32 v62, v19;
	v17 =	vadd.f32 v18, v17;
	v18 =	vmul.f32 v20, v20  }
0xc5: {  	v20 =	vmov s28  }
0xc6: {  	v19 =	vmul.f32 v19, v19;
	v20 =	vshll.u32 v20, $0x4;
	v63 =	vadd.f32 v18, v17  }
0xc7: {  	v17 =	vor.u32 v1, v20  }
0xc8: {  	s28 =	simm.s32 $0x30;
	v18 =	vor.u32 v0, v17;
	v19 =	vadd.f32 v19, v63  }
.LBB2_3:
0xc9: {  	p0 =	sne.s32 s28, $0x3F0  }
0xca: {  	v20 =	vor.u32 v2, v17;
	v19 =	vsub.f32 $0.0e+00, v19  }
0xcb: {  	s26 =	sadd.s32 $0x10, s26  }
0xcc: {  	v21 =	vor.u32 v3, v17;
	[tilespmem:s26+$0x0] =	vst v19  }
0xcd: {  	v19 =	vld.idx.msk [tilespmem:v18+s14+$0x0], $0xffff  }
0xce: {  	v22 =	vor.u32 v4, v17;
	v18 =	vld.idx.msk [tilespmem:v18+s13+$0x0], $0xffff  }
0xcf: {  	v23 =	vld.idx.msk [tilespmem:v20+s13+$0x0], $0xffff  }
0xd0: {  	v24 =	vor.u32 v5, v17;
	v20 =	vld.idx.msk [tilespmem:v20+s14+$0x0], $0xffff  }
0xd1: {  	v25 =	vld.idx.msk [tilespmem:v21+s13+$0x0], $0xffff  }
0xd2: {  	v26 =	vor.u32 v6, v17;
	v21 =	vld.idx.msk [tilespmem:v21+s14+$0x0], $0xffff  }
0xd3: {  	v27 =	vld.idx.msk [tilespmem:v22+s13+$0x0], $0xffff  }
0xd4: {  	v28 =	vor.u32 v8, v17;
	v22 =	vld.idx.msk [tilespmem:v22+s14+$0x0], $0xffff  }
0xd5: {  	v29 =	vld.idx.msk [tilespmem:v24+s13+$0x0], $0xffff  }
0xd6: {  	v18 =	vsub.f32 v18, v19;
	v19 =	vsub.f32 v23, v20;
	v23 =	vor.u32 v9, v17;
	v20 =	vld.idx.msk [tilespmem:v24+s14+$0x0], $0xffff  }
0xd7: {  	v30 =	vor.u32 v7, v17;
	v24 =	vld.idx.msk [tilespmem:v26+s13+$0x0], $0xffff  }
0xd8: {  	v18 =	vmul.f32 v18, v18;
	v19 =	vmul.f32 v19, v19;
	v21 =	vsub.f32 v25, v21;
	v25 =	vld.idx.msk [tilespmem:v26+s14+$0x0], $0xffff  }
0xd9: {  	v31 =	vor.u32 v10, v17;
	v26 =	vld.idx.msk [tilespmem:v28+s13+$0x0], $0xffff  }
0xda: {  	v18 =	vadd.f32 v19, v18;
	v19 =	vmul.f32 v21, v21;
	v21 =	vsub.f32 v27, v22;
	v22 =	vld.idx.msk [tilespmem:v28+s14+$0x0], $0xffff  }
0xdb: {  	v28 =	vor.u32 v11, v17;
	v27 =	vld.idx.msk [tilespmem:v23+s13+$0x0], $0xffff  }
0xdc: {  	v18 =	vadd.f32 v19, v18;
	v19 =	vmul.f32 v21, v21;
	v20 =	vsub.f32 v29, v20;
	v21 =	vld.idx.msk [tilespmem:v23+s14+$0x0], $0xffff  }
0xdd: {  	v29 =	vor.u32 v12, v17;
	v23 =	vld.idx.msk [tilespmem:v30+s13+$0x0], $0xffff  }
0xde: {  	v18 =	vadd.f32 v19, v18;
	v19 =	vmul.f32 v20, v20;
	v20 =	vsub.f32 v24, v25;
	v24 =	vld.idx.msk [tilespmem:v30+s14+$0x0], $0xffff  }
0xdf: {  	v30 =	vor.u32 v13, v17;
	v25 =	vld.idx.msk [tilespmem:v31+s13+$0x0], $0xffff  }
0xe0: {  	v18 =	vadd.f32 v19, v18;
	v19 =	vmul.f32 v20, v20;
	v20 =	vsub.f32 v26, v22;
	v22 =	vld.idx.msk [tilespmem:v31+s14+$0x0], $0xffff  }
0xe1: {  	v31 =	vor.u32 v14, v17;
	v26 =	vld.idx.msk [tilespmem:v28+s13+$0x0], $0xffff  }
0xe2: {  	v18 =	vadd.f32 v19, v18;
	v19 =	vmul.f32 v20, v20;
	v20 =	vsub.f32 v27, v21;
	v21 =	vld.idx.msk [tilespmem:v28+s14+$0x0], $0xffff  }
0xe3: {  	v28 =	vor.u32 v15, v17;
	v27 =	vld.idx.msk [tilespmem:v29+s13+$0x0], $0xffff  }
0xe4: {  	v18 =	vadd.f32 v19, v18;
	v19 =	vmul.f32 v20, v20;
	v20 =	vsub.f32 v23, v24;
	v23 =	vld.idx.msk [tilespmem:v29+s14+$0x0], $0xffff  }
0xe5: {  	v17 =	vor.u32 v16, v17;
	v24 =	vld.idx.msk [tilespmem:v30+s13+$0x0], $0xffff  }
0xe6: {  	v18 =	vadd.f32 v19, v18;
	v19 =	vmul.f32 v20, v20;
	v20 =	vsub.f32 v25, v22;
	v22 =	vld.idx.msk [tilespmem:v30+s14+$0x0], $0xffff  }
0xe7: {  	v25 =	vld.idx.msk [tilespmem:v31+s13+$0x0], $0xffff  }
0xe8: {  	v18 =	vadd.f32 v19, v18;
	v19 =	vmul.f32 v20, v20;
	v20 =	vsub.f32 v26, v21;
	v21 =	vld.idx.msk [tilespmem:v31+s14+$0x0], $0xffff  }
0xe9: {  	v26 =	vld.idx.msk [tilespmem:v28+s13+$0x0], $0xffff  }
0xea: {  	v18 =	vadd.f32 v19, v18;
	v19 =	vmul.f32 v20, v20;
	v20 =	vsub.f32 v27, v23;
	v23 =	vld.idx.msk [tilespmem:v28+s14+$0x0], $0xffff  }
0xeb: {  	v27 =	vld.idx.msk [tilespmem:v17+s13+$0x0], $0xffff  }
0xec: {  	v18 =	vadd.f32 v19, v18;
	v19 =	vmul.f32 v20, v20;
	v20 =	vsub.f32 v24, v22;
	v17 =	vld.idx.msk [tilespmem:v17+s14+$0x0], $0xffff;
	_ =	sdelay $0x1  }
0xed: {  	v18 =	vadd.f32 v19, v18;
	v19 =	vmul.f32 v20, v20;
	v20 =	vsub.f32 v25, v21;
	_ =	sdelay $0x1  }
0xee: {  	v18 =	vadd.f32 v19, v18;
	v19 =	vmul.f32 v20, v20;
	v20 =	vsub.f32 v26, v23;
	_ =	sdelay $0x1  }
.Ltmp0:
0xef: {  	v18 =	vadd.f32 v19, v18;
	v19 =	vmul.f32 v20, v20;
	v17 =	vsub.f32 v27, v17;
	(pc) =	sbr.rel @p0 .LBB2_3-.Ltmp0, $4  }
0xf0: {  	v20 =	vmov s28  }
0xf1: {  	v20 =	vshll.u32 v20, $0x4;
	v19 =	vadd.f32 v19, v18;
	v21 =	vmul.f32 v17, v17  }
0xf2: {  	v17 =	vor.u32 v1, v20  }
0xf3: {  	s28 =	sadd.s32 $0x10, s28;
	v18 =	vor.u32 v0, v17;
	v19 =	vadd.f32 v21, v19  }
0xf4: {  	_ = 	snop  }
0xf5: {  	v20 =	vor.u32 v2, v17;
	v19 =	vsub.f32 $0.0e+00, v19  }
0xf6: {  	s26 =	sadd.s32 $0x10, s26  }
0xf7: {  	v21 =	vor.u32 v3, v17;
	[tilespmem:s26+$0x0] =	vst v19  }
0xf8: {  	v19 =	vld.idx.msk [tilespmem:v18+s14+$0x0], $0xffff  }
0xf9: {  	v22 =	vor.u32 v4, v17;
	v18 =	vld.idx.msk [tilespmem:v18+s13+$0x0], $0xffff  }
0xfa: {  	v23 =	vld.idx.msk [tilespmem:v20+s13+$0x0], $0xffff  }
0xfb: {  	v24 =	vor.u32 v5, v17;
	v20 =	vld.idx.msk [tilespmem:v20+s14+$0x0], $0xffff  }
0xfc: {  	v25 =	vld.idx.msk [tilespmem:v21+s13+$0x0], $0xffff  }
0xfd: {  	v26 =	vor.u32 v6, v17;
	v21 =	vld.idx.msk [tilespmem:v21+s14+$0x0], $0xffff  }
0xfe: {  	v27 =	vld.idx.msk [tilespmem:v22+s13+$0x0], $0xffff  }
0xff: {  	v28 =	vor.u32 v8, v17;
	v22 =	vld.idx.msk [tilespmem:v22+s14+$0x0], $0xffff  }
0x100: {  	v29 =	vld.idx.msk [tilespmem:v24+s13+$0x0], $0xffff;
	v18 =	vsub.f32 v18, v19;
	v19 =	vsub.f32 v23, v20  }
0x101: {  	v62 =	vor.u32 v9, v17;
	v61 =	vld.idx.msk [tilespmem:v24+s14+$0x0], $0xffff  }
0x102: {  	v63 =	vld.idx.msk [tilespmem:v26+s13+$0x0], $0xffff;
	v21 =	vsub.f32 v25, v21;
	v18 =	vmul.f32 v18, v18;
	v19 =	vmul.f32 v19, v19  }
0x103: {  	v33 =	vor.u32 v7, v17;
	v26 =	vld.idx.msk [tilespmem:v26+s14+$0x0], $0xffff  }
0x104: {  	v30 =	vld.idx.msk [tilespmem:v28+s13+$0x0], $0xffff;
	v34 =	vsub.f32 v27, v22;
	v18 =	vadd.f32 v19, v18;
	v19 =	vmul.f32 v21, v21  }
0x105: {  	v35 =	vor.u32 v10, v17;
	v36 =	vld.idx.msk [tilespmem:v28+s14+$0x0], $0xffff  }
0x106: {  	v37 =	vld.idx.msk [tilespmem:v62+s13+$0x0], $0xffff;
	v20 =	vsub.f32 v29, v61;
	v18 =	vadd.f32 v19, v18;
	v19 =	vmul.f32 v34, v34  }
0x107: {  	v38 =	vor.u32 v11, v17;
	v23 =	vld.idx.msk [tilespmem:v62+s14+$0x0], $0xffff  }
0x108: {  	v39 =	vld.idx.msk [tilespmem:v33+s13+$0x0], $0xffff;
	v40 =	vsub.f32 v63, v26;
	v18 =	vadd.f32 v19, v18;
	v19 =	vmul.f32 v20, v20  }
0x109: {  	v41 =	vor.u32 v12, v17;
	v25 =	vld.idx.msk [tilespmem:v33+s14+$0x0], $0xffff  }
0x10a: {  	v42 =	vld.idx.msk [tilespmem:v35+s13+$0x0], $0xffff;
	v43 =	vsub.f32 v30, v36;
	v18 =	vadd.f32 v19, v18;
	v19 =	vmul.f32 v40, v40  }
0x10b: {  	v44 =	vor.u32 v13, v17;
	v22 =	vld.idx.msk [tilespmem:v35+s14+$0x0], $0xffff  }
0x10c: {  	v45 =	vld.idx.msk [tilespmem:v38+s13+$0x0], $0xffff;
	v46 =	vsub.f32 v37, v23;
	v18 =	vadd.f32 v19, v18;
	v19 =	vmul.f32 v43, v43  }
0x10d: {  	v47 =	vor.u32 v14, v17;
	v21 =	vld.idx.msk [tilespmem:v38+s14+$0x0], $0xffff  }
0x10e: {  	v48 =	vld.idx.msk [tilespmem:v41+s13+$0x0], $0xffff;
	v49 =	vsub.f32 v39, v25;
	v18 =	vadd.f32 v19, v18;
	v19 =	vmul.f32 v46, v46  }
0x10f: {  	v50 =	vor.u32 v15, v17;
	v24 =	vld.idx.msk [tilespmem:v41+s14+$0x0], $0xffff  }
0x110: {  	v51 =	vld.idx.msk [tilespmem:v44+s13+$0x0], $0xffff;
	v52 =	vsub.f32 v42, v22;
	v18 =	vadd.f32 v19, v18;
	v19 =	vmul.f32 v49, v49  }
0x111: {  	v17 =	vor.u32 v16, v17;
	v53 =	vld.idx.msk [tilespmem:v44+s14+$0x0], $0xffff  }
0x112: {  	v54 =	vld.idx.msk [tilespmem:v47+s13+$0x0], $0xffff;
	v55 =	vsub.f32 v45, v21;
	v18 =	vadd.f32 v19, v18;
	v19 =	vmul.f32 v52, v52  }
0x113: {  	v56 =	vld.idx.msk [tilespmem:v47+s14+$0x0], $0xffff  }
0x114: {  	v57 =	vld.idx.msk [tilespmem:v50+s13+$0x0], $0xffff;
	v58 =	vsub.f32 v48, v24;
	v18 =	vadd.f32 v19, v18;
	v19 =	vmul.f32 v55, v55  }
0x115: {  	v59 =	vld.idx.msk [tilespmem:v50+s14+$0x0], $0xffff  }
0x116: {  	v60 =	vld.idx.msk [tilespmem:v17+s13+$0x0], $0xffff;
	v61 =	vsub.f32 v51, v53;
	v18 =	vadd.f32 v19, v18;
	v19 =	vmul.f32 v58, v58  }
0x117: {  	v17 =	vld.idx.msk [tilespmem:v17+s14+$0x0], $0xffff  }
0x118: {  	v62 =	vsub.f32 v54, v56;
	v18 =	vadd.f32 v19, v18;
	v19 =	vmul.f32 v61, v61;
	_ =	sdelay $0x1  }
0x119: {  	v63 =	vsub.f32 v57, v59;
	v18 =	vadd.f32 v19, v18;
	v19 =	vmul.f32 v62, v62;
	_ =	sdelay $0x1  }
0x11a: {  	v17 =	vsub.f32 v60, v17;
	v18 =	vadd.f32 v19, v18;
	v19 =	vmul.f32 v63, v63;
	_ =	sdelay $0x1  }
0x11b: {  	v17 =	vmul.f32 v17, v17;
	v18 =	vadd.f32 v19, v18;
	_ =	sdelay $0x1  }
0x11c: {  	v17 =	vadd.f32 v17, v18;
	_ =	sdelay $0x1  }
0x11d: {  	s24 =	sadd.s32 $0x1, s24;
	v17 =	vsub.f32 $0.0e+00, v17  }
0x11e: {  	p0 =	sne.s32 s24, $0x19;
	s26 =	sadd.s32 $0x10, s26  }
.Ltmp1:
0x11f: {  	s25 =	sadd.s32 s7, s25;
	s29 =	simm.s32 $0x0;
	[tilespmem:s26+$0x0] =	vst v17;
	(pc) =	sbr.rel @p0 .LBB2_2-.Ltmp1, $4  }
0x120: {  	[hbm4b:s25+s29] =	stream.linear.scatter [tilespmem:s23], [sflag:$0x3], $0x400, $0x38;
	[tilespmem:$0x8C00] =	vst v63  }
0x121: {  	_ =	swait.ge [sflag:s10], $0x400  }
0x122: {  	[sflag:s10] =	ssyncset.done $0x0  }
0x123: {  	[sflag:s10] =	ssyncadd.s32 $0xFFFFFC00  }
0x124: {  	s25 =	rddreg [dreg:$0x4]  }
0x125: {  	s24 =	rddreg [dreg:$0x3];
	s25 =	sadd.s32 $0x1, s25  }
0x126: {  	p0 =	sne.s32 s25, s24  }
.Ltmp2:
0x127: {  	_ = 	snop;
	(pc) =	sbr.rel @p0 .LBB2_1-.Ltmp2, $1  }
0x128: {  	_ =	sdelay $0x3  }
0x129: {  	_ =	sfence.sel $0x180000  }
0x12a: {  	[bflag:$0x0] =	sbarrier.arrive $0xFFFF  }
0x12b: {  	_ =	strace $0x90000047  }
0x12c: {  	s0 =	stileid.u32;
	[bflag:$0x2] =	sbarrier.arrive $0xFFFF  }
0x12d: {  	p0 =	sne.s32 s0, $0x0;
	s0 =	rddreg [dreg:$0x2]  }
0x12e: {  	s0 =	sadd.s32 @!p0 $0x100000, s0  }
0x12f: {  	[sflag:s0] =	ssyncadd.tile.s32 @!p0 $0x1;
	_ =	shalt  }
.Lfunc_end2:
_tile_overlayer_lowered:
.L_overlay_start_2:
0x130: {  	(tag) =	ssettag $0x2  }
0x131: {  	s0 =	rddreg [dreg:$0x0];
	s2 =	stileid.u32  }
0x132: {  	s1 =	rddreg [dreg:$0x1];
	p0 =	sne.s32 s2, $0x0  }
0x133: {  	s3 =	rddreg [dreg:$0x2];
	[bflag:$0x3] =	sbarrier.arrive $0xFFFF;
	s2 =	simm.s32 @!p0 $0x1C03  }
0x134: {  	[timem:s3], [sflag:s2] =	dma.local @!p0 [hbm:s0], s1  }
0x135: {  	s0 =	simm.s32 @!p0 $0x3  }
0x136: {  	_ =	swait.ge @!p0 [sflag:s0], s1  }
0x137: {  	s1 =	ssub.s32 @!p0 $0x0, s1;
	[sflag:s0] =	ssyncset.done @!p0 $0x0  }
0x138: {  	[sflag:s0] =	ssyncadd.s32 @!p0 s1  }
0x139: {  	[bflag:$0x3] =	sbarrier.arrive $0xFFFF  }
0x13a: {  	_ =	shalt  }

</sc_bundles>
